<compile_context>
chip_gen: v7x
topology: tpu7x:2x2x1
jax: 0.10.2.dev20260603
libtpu: 0.0.44.dev20260713+nightly
codegen_flags: <defaults>
</compile_context>

<pallas_src>
import functools

import jax
import jax.numpy as jnp
from jax import lax
from jax.experimental import pallas as pl
from jax.experimental.pallas import tpu as pltpu
from jax.experimental.pallas import tpu_sc as plsc

N_NODES = 10000
N_EDGES = 320000
D_IN = 128
H0 = 256
H1 = 128

NC = 2
NS = 16
NW = NC * NS
EB = 128
NPAD = 10240
EPAD = 327680
NB = EPAD // (NW * EB)
RPT = NPAD // NS
EBC = 64
CH = 32
KB = 4
NBC = EPAD // (NW * EBC)
DEGW = 128

@functools.cache
def _sc_kernels():
    mesh = plsc.VectorSubcoreMesh(core_axis_name="c", subcore_axis_name="s",
                                  num_cores=NC, num_subcores=NS)

    @functools.partial(
        pl.kernel,
        out_type=jax.ShapeDtypeStruct((NC * NPAD, DEGW), jnp.float32),
        mesh=mesh,
        scratch_types=[
            pltpu.VMEM((NB, EB), jnp.int32),
            pltpu.VMEM((EB, DEGW), jnp.float32),
            pltpu.VMEM_SHARED((NPAD, DEGW), jnp.float32),
        ],
    )
    def sc_degree(dst_hbm, ones_hbm, zeros_hbm, degp_hbm, dst_v, ones_v, deg_sp):
        c = lax.axis_index("c")
        s = lax.axis_index("s")
        wid = s * NC + c
        base = s * RPT
        pltpu.sync_copy(zeros_hbm, deg_sp.at[pl.ds(base, RPT)])
        pltpu.sync_copy(dst_hbm.at[wid], dst_v)
        pltpu.sync_copy(ones_hbm, ones_v)
        plsc.subcore_barrier()

        def body(j, carry):
            pltpu.sync_copy(ones_v, deg_sp.at[dst_v.at[j]], add=True)
            return carry

        lax.fori_loop(0, NB, body, 0)
        plsc.subcore_barrier()
        pltpu.sync_copy(deg_sp.at[pl.ds(base, RPT)],
                        degp_hbm.at[pl.ds(c * NPAD + base, RPT)])

    @functools.partial(
        pl.kernel,
        out_type=jax.ShapeDtypeStruct((NC * NPAD, D_IN), jnp.float32),
        mesh=mesh,
        scratch_types=[
            pltpu.VMEM((CH, EBC), jnp.int32),
            pltpu.VMEM((CH, EBC), jnp.int32),
            [pltpu.VMEM((EBC, D_IN), jnp.float32)] * KB,
            pltpu.VMEM_SHARED((NPAD, D_IN), jnp.float32),
            [pltpu.SemaphoreType.DMA] * KB,
        ],
    )
    def sc_aggregate(y_hbm, src_hbm, dst_hbm, zeros_hbm, zp_hbm,
                     src_v, dst_v, rows, z_sp, gsem):
        c = lax.axis_index("c")
        s = lax.axis_index("s")
        wid = s * NC + c
        base = s * RPT
        pltpu.sync_copy(zeros_hbm, z_sp.at[pl.ds(base, RPT)])
        plsc.subcore_barrier()

        def chunk(ch, carry):
            pltpu.sync_copy(src_hbm.at[wid, pl.ds(ch * CH, CH)], src_v)
            pltpu.sync_copy(dst_hbm.at[wid, pl.ds(ch * CH, CH)], dst_v)
            for b in range(KB - 1):
                pltpu.async_copy(y_hbm.at[src_v.at[b]], rows[b], gsem[b])

            def body(i, c2):
                for b in range(KB):
                    j = i * KB + b

                    bn = (b + KB - 1) % KB

                    @pl.when(j + KB - 1 < CH)
                    def _():
                        pltpu.async_copy(y_hbm.at[src_v.at[j + KB - 1]],
                                         rows[bn], gsem[bn])

                    pltpu.make_async_copy(y_hbm.at[src_v.at[j]],
                                          rows[b], gsem[b]).wait()
                    pltpu.sync_copy(rows[b], z_sp.at[dst_v.at[j]], add=True)
                return c2

            lax.fori_loop(0, CH // KB, body, 0)
            return carry

        lax.fori_loop(0, NBC // CH, chunk, 0)
        plsc.subcore_barrier()
        pltpu.sync_copy(z_sp.at[pl.ds(base, RPT)],
                        zp_hbm.at[pl.ds(c * NPAD + base, RPT)])

    return sc_degree, sc_aggregate


BLK = 1280
GRID = NPAD // BLK


def _tc_scale_body(d0_ref, d1_ref, x_ref, y_ref):
    deg = d0_ref[:, 0] + d1_ref[:, 0] + 1.0
    dinv = lax.rsqrt(deg)
    y_ref[:, :] = x_ref[:, :] * dinv[:, None]


def _tc_scale(degp, xp):
    return pl.pallas_call(
        _tc_scale_body,
        grid=(GRID,),
        in_specs=[
            pl.BlockSpec((BLK, DEGW), lambda i: (i, 0)),
            pl.BlockSpec((BLK, DEGW), lambda i: (i + GRID, 0)),
            pl.BlockSpec((BLK, D_IN), lambda i: (i, 0)),
        ],
        out_specs=pl.BlockSpec((BLK, D_IN), lambda i: (i, 0)),
        out_shape=jax.ShapeDtypeStruct((NPAD, D_IN), jnp.float32),
    )(degp, degp, xp)


def _tc_mlp_body(z0_ref, z1_ref, y_ref, d0_ref, d1_ref,
                 wg_ref, bg_ref, we_ref, be_ref,
                 w1_ref, b1_ref, w2_ref, b2_ref, out_ref):
    deg = d0_ref[:, 0] + d1_ref[:, 0] + 1.0
    dinv = lax.rsqrt(deg)
    agg = (z0_ref[:, :] + z1_ref[:, :] + y_ref[:, :]) * dinv[:, None]
    h = jnp.dot(agg, wg_ref[:, :], preferred_element_type=jnp.float32)
    h = jnp.maximum(h + bg_ref[:, :], 0.0)
    z = jnp.dot(h, we_ref[:, :], preferred_element_type=jnp.float32) + be_ref[:, :]
    d = jnp.dot(z, w1_ref[:, :], preferred_element_type=jnp.float32)
    d = jnp.maximum(d + b1_ref[:, :], 0.0)
    out_ref[:, :] = (jnp.dot(d, w2_ref[:, :], preferred_element_type=jnp.float32)
                     + b2_ref[:, :])


def _tc_mlp(zp, y, degp, W_gcn, b_gcn, W_enc, b_enc, W_d1, b_d1, W_d2, b_d2):
    full = lambda shape: pl.BlockSpec(shape, lambda i: (0, 0))
    return pl.pallas_call(
        _tc_mlp_body,
        grid=(GRID,),
        in_specs=[
            pl.BlockSpec((BLK, D_IN), lambda i: (i, 0)),
            pl.BlockSpec((BLK, D_IN), lambda i: (i + GRID, 0)),
            pl.BlockSpec((BLK, D_IN), lambda i: (i, 0)),
            pl.BlockSpec((BLK, DEGW), lambda i: (i, 0)),
            pl.BlockSpec((BLK, DEGW), lambda i: (i + GRID, 0)),
            full((D_IN, H0)), full((1, H0)),
            full((H0, H1)), full((1, H1)),
            full((H1, H0)), full((1, H0)),
            full((H0, D_IN)), full((1, D_IN)),
        ],
        out_specs=pl.BlockSpec((BLK, D_IN), lambda i: (i, 0)),
        out_shape=jax.ShapeDtypeStruct((NPAD, D_IN), jnp.float32),
    )(zp, zp, y, degp, degp, W_gcn, b_gcn.reshape(1, H0),
      W_enc, b_enc.reshape(1, H1), W_d1, b_d1.reshape(1, H0),
      W_d2, b_d2.reshape(1, D_IN))


def kernel(x, edge_index, W_gcn, b_gcn, W_enc, b_enc, W_d1, b_d1, W_d2, b_d2):
    src = edge_index[0].astype(jnp.int32)
    dst = edge_index[1].astype(jnp.int32)
    pad_e = EPAD - N_EDGES
    srcf = jnp.concatenate([src, jnp.zeros((pad_e,), jnp.int32)])
    dstf = jnp.concatenate([dst, jnp.full((pad_e,), NPAD - 1, jnp.int32)])
    dstp_a = dstf.reshape(NW, NB, EB)
    srcp_c = srcf.reshape(NW, NBC, EBC)
    dstp_c = dstf.reshape(NW, NBC, EBC)
    xp = jnp.concatenate([x, jnp.zeros((NPAD - N_NODES, D_IN), x.dtype)])

    sc_degree, sc_aggregate = _sc_kernels()
    degp = sc_degree(dstp_a,
                     jnp.ones((EB, DEGW), jnp.float32),
                     jnp.zeros((RPT, DEGW), jnp.float32))
    y = _tc_scale(degp, xp)
    zp = sc_aggregate(y, srcp_c, dstp_c, jnp.zeros((RPT, D_IN), jnp.float32))
    out = _tc_mlp(zp, y, degp, W_gcn, b_gcn, W_enc, b_enc, W_d1, b_d1, W_d2, b_d2)
    return out[:N_NODES]

# --- scband reference (transcript-rebuilt; emitter-appended) ---
"""Pipeline reference for scband-imputer-9998683865331 (READ-ONLY COPY).

The authoritative reference and input builder live on the scoring server;
editing this copy changes nothing except your own understanding.
"""

import jax, jax.numpy as jnp
import numpy as np

N_NODES = 10000
N_EDGES = 320000
IN_DIM = 128
HID0 = 256
HID1 = 128

def setup_inputs(seed: int = 0) -> dict:
    key = jax.random.key(seed)
    ks = jax.random.split(key, 12)
    x = jax.random.normal(ks[0], (N_NODES, IN_DIM), dtype=jnp.float32)
    edge_index = jax.random.randint(ks[1], (2, N_EDGES), 0, N_NODES, dtype=jnp.int64)
    def glorot(k, fan_in, fan_out):
        lim = float(np.sqrt(6.0 / (fan_in + fan_out)))
        return jax.random.uniform(k, (fan_in, fan_out), dtype=jnp.float32, minval=-lim, maxval=lim)
    # Encoder: GCNConv(in_dim -> hid0), Linear(hid0 -> hid1)
    W_gcn = glorot(ks[2], IN_DIM, HID0)
    b_gcn = jnp.zeros((HID0,), dtype=jnp.float32)
    W_enc = glorot(ks[3], HID0, HID1)
    b_enc = jnp.zeros((HID1,), dtype=jnp.float32)
    # Decoder: Linear(hid1 -> hid0), Linear(hid0 -> in_dim)
    W_d1 = glorot(ks[4], HID1, HID0)
    b_d1 = jnp.zeros((HID0,), dtype=jnp.float32)
    W_d2 = glorot(ks[5], HID0, IN_DIM)
    b_d2 = jnp.zeros((IN_DIM,), dtype=jnp.float32)
    return {"x": x, "edge_index": edge_index,
            "W_gcn": W_gcn, "b_gcn": b_gcn,
            "W_enc": W_enc, "b_enc": b_enc,
            "W_d1": W_d1, "b_d1": b_d1,
            "W_d2": W_d2, "b_d2": b_d2}

def gcn_conv(x, edge_index, W, b):
    n = x.shape[0]
    loop = jnp.arange(n, dtype=edge_index.dtype)
    src = jnp.concatenate([edge_index[0], loop])
    dst = jnp.concatenate([edge_index[1], loop])
    # symmetric normalization with self-loops (PyG GCNConv default)
    deg = jnp.zeros((n,), dtype=x.dtype).at[dst].add(1.0)
    dinv = jnp.where(deg > 0, deg ** -0.5, 0.0)
    norm = dinv[src] * dinv[dst]
    h = x @ W
    msg = jnp.take(h, src, axis=0) * norm[:, None]
    out = jnp.zeros((n, h.shape[1]), dtype=x.dtype).at[dst].add(msg)
    return out + b

def reference(x, edge_index, W_gcn, b_gcn, W_enc, b_enc, W_d1, b_d1, W_d2, b_d2):
    # Encoder
    h = gcn_conv(x, edge_index, W_gcn, b_gcn)
    h = jax.nn.relu(h)
    z = h @ W_enc + b_enc
    # Decoder
    d = z @ W_d1 + b_d1
    d = jax.nn.relu(d)
    out = d @ W_d2 + b_d2
    return out

if __name__ == "__main__":
    import jax
    _d = setup_inputs()
    print(jax.jit(kernel)(*tuple(_d.values())))

</pallas_src>

<mosaic_0001>
#map = affine_map<(d0, d1) -> (0, 0, 0)>
#map1 = affine_map<(d0, d1) -> (0, 0)>
module attributes {stable_mosaic.version = 14 : i64} {
  func.func @sc_degree(%arg0: i32, %arg1: i32, %arg2: memref<32x80x128xi32, #tpu.memory_space<hbm>>, %arg3: memref<128x128xf32, #tpu.memory_space<hbm>>, %arg4: memref<640x128xf32, #tpu.memory_space<hbm>>, %arg5: memref<20480x128xf32, #tpu.memory_space<hbm>>, %arg6: memref<80x128xi32, #tpu.memory_space<vmem>>, %arg7: memref<128x128xf32, #tpu.memory_space<vmem>>, %arg8: memref<10240x128xf32, #tpu.memory_space<vmem_shared>>) attributes {dimension_semantics = [#tpu.dimension_semantics<core_parallel>, #tpu.dimension_semantics<subcore_parallel>], iteration_bounds = array<i64: 2, 16>, scalar_prefetch = 0 : i64, scratch_operands = 3 : i64, tpu.core_type = #tpu.core_type<sc_vector_subcore>, window_params = [{transform_indices = #map}, {transform_indices = #map1}, {transform_indices = #map1}, {transform_indices = #map1}]} {
    %mul3A = arith.constant 2 : i32
    %mul3A_0 = arith.muli %arg1, %mul3A : i32
    %add3A = arith.addi %mul3A_0, %arg0 : i32
    %mul3A_1 = arith.constant 640 : i32
    %mul3A_2 = arith.muli %arg1, %mul3A_1 : i32
    "tpu.region"() ({
      %run_scoped3A = tpu.sem_alloc : memref<!tpu.dma_semaphore, #tpu.memory_space<semaphore_mem>>
      %dma_start3A = arith.constant 0 : i32
      %dma_start3A_12 = tpu.memref_slice %arg8[%mul3A_2, %dma_start3A] : memref<10240x128xf32, #tpu.memory_space<vmem_shared>> -> memref<640x128xf32, #tpu.memory_space<vmem_shared>>
      tpu.enqueue_dma source(%arg4 : memref<640x128xf32, #tpu.memory_space<hbm>>) target(%dma_start3A_12 : memref<640x128xf32, #tpu.memory_space<vmem_shared>>) target_semaphore(%run_scoped3A : memref<!tpu.dma_semaphore, #tpu.memory_space<semaphore_mem>>)
      %dma_wait3A = arith.constant 0 : i32
      %dma_wait3A_13 = tpu.memref_slice %arg8[%mul3A_2, %dma_wait3A] : memref<10240x128xf32, #tpu.memory_space<vmem_shared>> -> memref<640x128xf32, #tpu.memory_space<vmem_shared>>
      tpu.wait_dma2 semaphore(%run_scoped3A : memref<!tpu.dma_semaphore, #tpu.memory_space<semaphore_mem>>) src(%arg4 : memref<640x128xf32, #tpu.memory_space<hbm>>) dst(%dma_wait3A_13 : memref<640x128xf32, #tpu.memory_space<vmem_shared>>)
      tpu.yield
    }) : () -> ()
    "tpu.region"() ({
      %run_scoped3A = tpu.sem_alloc : memref<!tpu.dma_semaphore, #tpu.memory_space<semaphore_mem>>
      %dma_start3A = arith.constant 0 : i32
      %dma_start3A_12 = arith.constant 0 : i32
      %dma_start3A_13 = tpu.memref_slice %arg2[%add3A, %dma_start3A, %dma_start3A_12] : memref<32x80x128xi32, #tpu.memory_space<hbm>> -> memref<1x80x128xi32, #tpu.memory_space<hbm>>
      %dma_start3A_14 = tpu.memref_squeeze %dma_start3A_13 : memref<1x80x128xi32, #tpu.memory_space<hbm>> -> memref<80x128xi32, #tpu.memory_space<hbm>>
      %dma_start3A_15 = arith.constant 0 : i32
      %dma_start3A_16 = arith.constant 0 : i32
      %dma_start3A_17 = tpu.memref_slice %arg2[%add3A, %dma_start3A_15, %dma_start3A_16] : memref<32x80x128xi32, #tpu.memory_space<hbm>> -> memref<1x80x128xi32, #tpu.memory_space<hbm>>
      %dma_start3A_18 = tpu.memref_squeeze %dma_start3A_17 : memref<1x80x128xi32, #tpu.memory_space<hbm>> -> memref<80x128xi32, #tpu.memory_space<hbm>>
      tpu.enqueue_dma source(%dma_start3A_18 : memref<80x128xi32, #tpu.memory_space<hbm>>) target(%arg6 : memref<80x128xi32, #tpu.memory_space<vmem>>) target_semaphore(%run_scoped3A : memref<!tpu.dma_semaphore, #tpu.memory_space<semaphore_mem>>)
      %dma_wait3A = arith.constant 0 : i32
      %dma_wait3A_19 = arith.constant 0 : i32
      %dma_wait3A_20 = tpu.memref_slice %arg2[%add3A, %dma_wait3A, %dma_wait3A_19] : memref<32x80x128xi32, #tpu.memory_space<hbm>> -> memref<1x80x128xi32, #tpu.memory_space<hbm>>
      %dma_wait3A_21 = tpu.memref_squeeze %dma_wait3A_20 : memref<1x80x128xi32, #tpu.memory_space<hbm>> -> memref<80x128xi32, #tpu.memory_space<hbm>>
      %dma_wait3A_22 = arith.constant 0 : i32
      %dma_wait3A_23 = arith.constant 0 : i32
      %dma_wait3A_24 = tpu.memref_slice %arg2[%add3A, %dma_wait3A_22, %dma_wait3A_23] : memref<32x80x128xi32, #tpu.memory_space<hbm>> -> memref<1x80x128xi32, #tpu.memory_space<hbm>>
      %dma_wait3A_25 = tpu.memref_squeeze %dma_wait3A_24 : memref<1x80x128xi32, #tpu.memory_space<hbm>> -> memref<80x128xi32, #tpu.memory_space<hbm>>
      tpu.wait_dma2 semaphore(%run_scoped3A : memref<!tpu.dma_semaphore, #tpu.memory_space<semaphore_mem>>) src(%dma_wait3A_25 : memref<80x128xi32, #tpu.memory_space<hbm>>) dst(%arg6 : memref<80x128xi32, #tpu.memory_space<vmem>>)
      tpu.yield
    }) : () -> ()
    "tpu.region"() ({
      %run_scoped3A = tpu.sem_alloc : memref<!tpu.dma_semaphore, #tpu.memory_space<semaphore_mem>>
      tpu.enqueue_dma source(%arg3 : memref<128x128xf32, #tpu.memory_space<hbm>>) target(%arg7 : memref<128x128xf32, #tpu.memory_space<vmem>>) target_semaphore(%run_scoped3A : memref<!tpu.dma_semaphore, #tpu.memory_space<semaphore_mem>>)
      tpu.wait_dma2 semaphore(%run_scoped3A : memref<!tpu.dma_semaphore, #tpu.memory_space<semaphore_mem>>) src(%arg3 : memref<128x128xf32, #tpu.memory_space<hbm>>) dst(%arg7 : memref<128x128xf32, #tpu.memory_space<vmem>>)
      tpu.yield
    }) : () -> ()
    %barrier3A = arith.constant 0 : index
    tpu.barrier barrier_id(%barrier3A)
    %scan3A = arith.constant 0 : i32
    %scan3A_3 = arith.constant 0 : i32
    %scan3A_4 = arith.constant 80 : i32
    %scan3A_5 = arith.addi %scan3A_3, %scan3A_4 : i32
    %scan3A_6 = arith.constant 1 : i32
    scf.for %scan3A_12 = %scan3A_3 to %scan3A_5 step %scan3A_6  : i32 {
      "tpu.region"() ({
        %run_scoped3A = tpu.sem_alloc : memref<!tpu.dma_semaphore, #tpu.memory_space<semaphore_mem>>
        %dma_start3A = arith.constant 0 : i32
        %dma_start3A_13 = tpu.memref_slice %arg6[%scan3A_12, %dma_start3A] : memref<80x128xi32, #tpu.memory_space<vmem>> -> memref<1x128xi32, #tpu.memory_space<vmem>>
        %dma_start3A_14 = tpu.memref_squeeze %dma_start3A_13 : memref<1x128xi32, #tpu.memory_space<vmem>> -> memref<128xi32, #tpu.memory_space<vmem>>
        %dma_start3A_15 = arith.constant 0 : i32
        %dma_start3A_16 = arith.constant 0 : i32
        %dma_start3A_17 = tpu.memref_slice %arg8[%dma_start3A_15, %dma_start3A_16] : memref<10240x128xf32, #tpu.memory_space<vmem_shared>> -> memref<10240x128xf32, #tpu.memory_space<vmem_shared>>
        tpu.enqueue_indirect_dma source(%arg7 : memref<128x128xf32, #tpu.memory_space<vmem>>) target(%dma_start3A_17 : memref<10240x128xf32, #tpu.memory_space<vmem_shared>>) offsets(%dma_start3A_14 : memref<128xi32, #tpu.memory_space<vmem>>) semaphore(%run_scoped3A : memref<!tpu.dma_semaphore, #tpu.memory_space<semaphore_mem>>) {add = true}
        %dma_wait3A = arith.constant 0 : i32
        %dma_wait3A_18 = tpu.memref_slice %arg6[%scan3A_12, %dma_wait3A] : memref<80x128xi32, #tpu.memory_space<vmem>> -> memref<1x128xi32, #tpu.memory_space<vmem>>
        %dma_wait3A_19 = tpu.memref_squeeze %dma_wait3A_18 : memref<1x128xi32, #tpu.memory_space<vmem>> -> memref<128xi32, #tpu.memory_space<vmem>>
        %dma_wait3A_20 = arith.constant 0 : i32
        %dma_wait3A_21 = arith.constant 0 : i32
        %dma_wait3A_22 = tpu.memref_slice %arg8[%dma_wait3A_20, %dma_wait3A_21] : memref<10240x128xf32, #tpu.memory_space<vmem_shared>> -> memref<10240x128xf32, #tpu.memory_space<vmem_shared>>
        tpu.wait_indirect_dma semaphore(%run_scoped3A : memref<!tpu.dma_semaphore, #tpu.memory_space<semaphore_mem>>) src(%arg7 : memref<128x128xf32, #tpu.memory_space<vmem>>) dst(%dma_wait3A_22 : memref<10240x128xf32, #tpu.memory_space<vmem_shared>>)
        tpu.yield
      }) : () -> ()
    }
    %scan3A_7 = arith.constant 80 : i32
    %barrier3A_8 = arith.constant 0 : index
    tpu.barrier barrier_id(%barrier3A_8)
    %mul3A_9 = arith.constant 10240 : i32
    %mul3A_10 = arith.muli %arg0, %mul3A_9 : i32
    %add3A_11 = arith.addi %mul3A_10, %mul3A_2 : i32
    "tpu.region"() ({
      %run_scoped3A = tpu.sem_alloc : memref<!tpu.dma_semaphore, #tpu.memory_space<semaphore_mem>>
      %dma_start3A = arith.constant 0 : i32
      %dma_start3A_12 = tpu.memref_slice %arg5[%add3A_11, %dma_start3A] : memref<20480x128xf32, #tpu.memory_space<hbm>> -> memref<640x128xf32, #tpu.memory_space<hbm>>
      %dma_start3A_13 = arith.constant 0 : i32
      %dma_start3A_14 = tpu.memref_slice %arg8[%mul3A_2, %dma_start3A_13] : memref<10240x128xf32, #tpu.memory_space<vmem_shared>> -> memref<640x128xf32, #tpu.memory_space<vmem_shared>>
      tpu.enqueue_dma source(%dma_start3A_14 : memref<640x128xf32, #tpu.memory_space<vmem_shared>>) target(%dma_start3A_12 : memref<640x128xf32, #tpu.memory_space<hbm>>) target_semaphore(%run_scoped3A : memref<!tpu.dma_semaphore, #tpu.memory_space<semaphore_mem>>)
      %dma_wait3A = arith.constant 0 : i32
      %dma_wait3A_15 = tpu.memref_slice %arg5[%add3A_11, %dma_wait3A] : memref<20480x128xf32, #tpu.memory_space<hbm>> -> memref<640x128xf32, #tpu.memory_space<hbm>>
      %dma_wait3A_16 = arith.constant 0 : i32
      %dma_wait3A_17 = tpu.memref_slice %arg8[%mul3A_2, %dma_wait3A_16] : memref<10240x128xf32, #tpu.memory_space<vmem_shared>> -> memref<640x128xf32, #tpu.memory_space<vmem_shared>>
      tpu.wait_dma2 semaphore(%run_scoped3A : memref<!tpu.dma_semaphore, #tpu.memory_space<semaphore_mem>>) src(%dma_wait3A_17 : memref<640x128xf32, #tpu.memory_space<vmem_shared>>) dst(%dma_wait3A_15 : memref<640x128xf32, #tpu.memory_space<hbm>>)
      tpu.yield
    }) : () -> ()
    return
  }
}

#map = affine_map<(d0, d1) -> (0, 0)>
#map1 = affine_map<(d0, d1) -> (0, 0, 0)>
module attributes {stable_mosaic.version = 14 : i64} {
  func.func @sc_aggregate(%arg0: i32, %arg1: i32, %arg2: memref<10240x128xf32, #tpu.memory_space<hbm>>, %arg3: memref<32x160x64xi32, #tpu.memory_space<hbm>>, %arg4: memref<32x160x64xi32, #tpu.memory_space<hbm>>, %arg5: memref<640x128xf32, #tpu.memory_space<hbm>>, %arg6: memref<20480x128xf32, #tpu.memory_space<hbm>>, %arg7: memref<32x64xi32, #tpu.memory_space<vmem>>, %arg8: memref<32x64xi32, #tpu.memory_space<vmem>>, %arg9: memref<64x128xf32, #tpu.memory_space<vmem>>, %arg10: memref<64x128xf32, #tpu.memory_space<vmem>>, %arg11: memref<64x128xf32, #tpu.memory_space<vmem>>, %arg12: memref<64x128xf32, #tpu.memory_space<vmem>>, %arg13: memref<10240x128xf32, #tpu.memory_space<vmem_shared>>, %arg14: memref<!tpu.dma_semaphore, #tpu.memory_space<semaphore_mem>>, %arg15: memref<!tpu.dma_semaphore, #tpu.memory_space<semaphore_mem>>, %arg16: memref<!tpu.dma_semaphore, #tpu.memory_space<semaphore_mem>>, %arg17: memref<!tpu.dma_semaphore, #tpu.memory_space<semaphore_mem>>) attributes {dimension_semantics = [#tpu.dimension_semantics<core_parallel>, #tpu.dimension_semantics<subcore_parallel>], iteration_bounds = array<i64: 2, 16>, scalar_prefetch = 0 : i64, scratch_operands = 11 : i64, tpu.core_type = #tpu.core_type<sc_vector_subcore>, window_params = [{transform_indices = #map}, {transform_indices = #map1}, {transform_indices = #map1}, {transform_indices = #map}, {transform_indices = #map}]} {
    %mul3A = arith.constant 2 : i32
    %mul3A_0 = arith.muli %arg1, %mul3A : i32
    %add3A = arith.addi %mul3A_0, %arg0 : i32
    %mul3A_1 = arith.constant 640 : i32
    %mul3A_2 = arith.muli %arg1, %mul3A_1 : i32
    "tpu.region"() ({
      %run_scoped3A = tpu.sem_alloc : memref<!tpu.dma_semaphore, #tpu.memory_space<semaphore_mem>>
      %dma_start3A = arith.constant 0 : i32
      %dma_start3A_12 = tpu.memref_slice %arg13[%mul3A_2, %dma_start3A] : memref<10240x128xf32, #tpu.memory_space<vmem_shared>> -> memref<640x128xf32, #tpu.memory_space<vmem_shared>>
      tpu.enqueue_dma source(%arg5 : memref<640x128xf32, #tpu.memory_space<hbm>>) target(%dma_start3A_12 : memref<640x128xf32, #tpu.memory_space<vmem_shared>>) target_semaphore(%run_scoped3A : memref<!tpu.dma_semaphore, #tpu.memory_space<semaphore_mem>>)
      %dma_wait3A = arith.constant 0 : i32
      %dma_wait3A_13 = tpu.memref_slice %arg13[%mul3A_2, %dma_wait3A] : memref<10240x128xf32, #tpu.memory_space<vmem_shared>> -> memref<640x128xf32, #tpu.memory_space<vmem_shared>>
      tpu.wait_dma2 semaphore(%run_scoped3A : memref<!tpu.dma_semaphore, #tpu.memory_space<semaphore_mem>>) src(%arg5 : memref<640x128xf32, #tpu.memory_space<hbm>>) dst(%dma_wait3A_13 : memref<640x128xf32, #tpu.memory_space<vmem_shared>>)
      tpu.yield
    }) : () -> ()
    %barrier3A = arith.constant 0 : index
    tpu.barrier barrier_id(%barrier3A)
    %scan3A = arith.constant 0 : i32
    %scan3A_3 = arith.constant 0 : i32
    %scan3A_4 = arith.constant 5 : i32
    %scan3A_5 = arith.addi %scan3A_3, %scan3A_4 : i32
    %scan3A_6 = arith.constant 1 : i32
    scf.for %scan3A_12 = %scan3A_3 to %scan3A_5 step %scan3A_6  : i32 {
      %mul3A_13 = arith.constant 32 : i32
      %mul3A_14 = arith.muli %scan3A_12, %mul3A_13 : i32
      "tpu.region"() ({
        %run_scoped3A = tpu.sem_alloc : memref<!tpu.dma_semaphore, #tpu.memory_space<semaphore_mem>>
        %dma_start3A_43 = arith.constant 0 : i32
        %dma_start3A_44 = tpu.memref_slice %arg3[%add3A, %mul3A_14, %dma_start3A_43] : memref<32x160x64xi32, #tpu.memory_space<hbm>> -> memref<1x32x64xi32, #tpu.memory_space<hbm>>
        %dma_start3A_45 = tpu.memref_squeeze %dma_start3A_44 : memref<1x32x64xi32, #tpu.memory_space<hbm>> -> memref<32x64xi32, #tpu.memory_space<hbm>>
        %dma_start3A_46 = arith.constant 0 : i32
        %dma_start3A_47 = tpu.memref_slice %arg3[%add3A, %mul3A_14, %dma_start3A_46] : memref<32x160x64xi32, #tpu.memory_space<hbm>> -> memref<1x32x64xi32, #tpu.memory_space<hbm>>
        %dma_start3A_48 = tpu.memref_squeeze %dma_start3A_47 : memref<1x32x64xi32, #tpu.memory_space<hbm>> -> memref<32x64xi32, #tpu.memory_space<hbm>>
        tpu.enqueue_dma source(%dma_start3A_48 : memref<32x64xi32, #tpu.memory_space<hbm>>) target(%arg7 : memref<32x64xi32, #tpu.memory_space<vmem>>) target_semaphore(%run_scoped3A : memref<!tpu.dma_semaphore, #tpu.memory_space<semaphore_mem>>)
        %dma_wait3A = arith.constant 0 : i32
        %dma_wait3A_49 = tpu.memref_slice %arg3[%add3A, %mul3A_14, %dma_wait3A] : memref<32x160x64xi32, #tpu.memory_space<hbm>> -> memref<1x32x64xi32, #tpu.memory_space<hbm>>
        %dma_wait3A_50 = tpu.memref_squeeze %dma_wait3A_49 : memref<1x32x64xi32, #tpu.memory_space<hbm>> -> memref<32x64xi32, #tpu.memory_space<hbm>>
        %dma_wait3A_51 = arith.constant 0 : i32
        %dma_wait3A_52 = tpu.memref_slice %arg3[%add3A, %mul3A_14, %dma_wait3A_51] : memref<32x160x64xi32, #tpu.memory_space<hbm>> -> memref<1x32x64xi32, #tpu.memory_space<hbm>>
        %dma_wait3A_53 = tpu.memref_squeeze %dma_wait3A_52 : memref<1x32x64xi32, #tpu.memory_space<hbm>> -> memref<32x64xi32, #tpu.memory_space<hbm>>
        tpu.wait_dma2 semaphore(%run_scoped3A : memref<!tpu.dma_semaphore, #tpu.memory_space<semaphore_mem>>) src(%dma_wait3A_53 : memref<32x64xi32, #tpu.memory_space<hbm>>) dst(%arg7 : memref<32x64xi32, #tpu.memory_space<vmem>>)
        tpu.yield
      }) : () -> ()
      %mul3A_15 = arith.constant 32 : i32
      %mul3A_16 = arith.muli %scan3A_12, %mul3A_15 : i32
      "tpu.region"() ({
        %run_scoped3A = tpu.sem_alloc : memref<!tpu.dma_semaphore, #tpu.memory_space<semaphore_mem>>
        %dma_start3A_43 = arith.constant 0 : i32
        %dma_start3A_44 = tpu.memref_slice %arg4[%add3A, %mul3A_16, %dma_start3A_43] : memref<32x160x64xi32, #tpu.memory_space<hbm>> -> memref<1x32x64xi32, #tpu.memory_space<hbm>>
        %dma_start3A_45 = tpu.memref_squeeze %dma_start3A_44 : memref<1x32x64xi32, #tpu.memory_space<hbm>> -> memref<32x64xi32, #tpu.memory_space<hbm>>
        %dma_start3A_46 = arith.constant 0 : i32
        %dma_start3A_47 = tpu.memref_slice %arg4[%add3A, %mul3A_16, %dma_start3A_46] : memref<32x160x64xi32, #tpu.memory_space<hbm>> -> memref<1x32x64xi32, #tpu.memory_space<hbm>>
        %dma_start3A_48 = tpu.memref_squeeze %dma_start3A_47 : memref<1x32x64xi32, #tpu.memory_space<hbm>> -> memref<32x64xi32, #tpu.memory_space<hbm>>
        tpu.enqueue_dma source(%dma_start3A_48 : memref<32x64xi32, #tpu.memory_space<hbm>>) target(%arg8 : memref<32x64xi32, #tpu.memory_space<vmem>>) target_semaphore(%run_scoped3A : memref<!tpu.dma_semaphore, #tpu.memory_space<semaphore_mem>>)
        %dma_wait3A = arith.constant 0 : i32
        %dma_wait3A_49 = tpu.memref_slice %arg4[%add3A, %mul3A_16, %dma_wait3A] : memref<32x160x64xi32, #tpu.memory_space<hbm>> -> memref<1x32x64xi32, #tpu.memory_space<hbm>>
        %dma_wait3A_50 = tpu.memref_squeeze %dma_wait3A_49 : memref<1x32x64xi32, #tpu.memory_space<hbm>> -> memref<32x64xi32, #tpu.memory_space<hbm>>
        %dma_wait3A_51 = arith.constant 0 : i32
        %dma_wait3A_52 = tpu.memref_slice %arg4[%add3A, %mul3A_16, %dma_wait3A_51] : memref<32x160x64xi32, #tpu.memory_space<hbm>> -> memref<1x32x64xi32, #tpu.memory_space<hbm>>
        %dma_wait3A_53 = tpu.memref_squeeze %dma_wait3A_52 : memref<1x32x64xi32, #tpu.memory_space<hbm>> -> memref<32x64xi32, #tpu.memory_space<hbm>>
        tpu.wait_dma2 semaphore(%run_scoped3A : memref<!tpu.dma_semaphore, #tpu.memory_space<semaphore_mem>>) src(%dma_wait3A_53 : memref<32x64xi32, #tpu.memory_space<hbm>>) dst(%arg8 : memref<32x64xi32, #tpu.memory_space<vmem>>)
        tpu.yield
      }) : () -> ()
      %dma_start3A = arith.constant 0 : i32
      %dma_start3A_17 = arith.constant 0 : i32
      %dma_start3A_18 = tpu.memref_slice %arg7[%dma_start3A, %dma_start3A_17] : memref<32x64xi32, #tpu.memory_space<vmem>> -> memref<1x64xi32, #tpu.memory_space<vmem>>
      %dma_start3A_19 = tpu.memref_squeeze %dma_start3A_18 : memref<1x64xi32, #tpu.memory_space<vmem>> -> memref<64xi32, #tpu.memory_space<vmem>>
      %dma_start3A_20 = arith.constant 0 : i32
      %dma_start3A_21 = arith.constant 0 : i32
      %dma_start3A_22 = tpu.memref_slice %arg2[%dma_start3A_20, %dma_start3A_21] : memref<10240x128xf32, #tpu.memory_space<hbm>> -> memref<10240x128xf32, #tpu.memory_space<hbm>>
      tpu.enqueue_indirect_dma source(%dma_start3A_22 : memref<10240x128xf32, #tpu.memory_space<hbm>>) target(%arg9 : memref<64x128xf32, #tpu.memory_space<vmem>>) offsets(%dma_start3A_19 : memref<64xi32, #tpu.memory_space<vmem>>) semaphore(%arg14 : memref<!tpu.dma_semaphore, #tpu.memory_space<semaphore_mem>>)
      %dma_start3A_23 = arith.constant 1 : i32
      %dma_start3A_24 = arith.constant 0 : i32
      %dma_start3A_25 = tpu.memref_slice %arg7[%dma_start3A_23, %dma_start3A_24] : memref<32x64xi32, #tpu.memory_space<vmem>> -> memref<1x64xi32, #tpu.memory_space<vmem>>
      %dma_start3A_26 = tpu.memref_squeeze %dma_start3A_25 : memref<1x64xi32, #tpu.memory_space<vmem>> -> memref<64xi32, #tpu.memory_space<vmem>>
      %dma_start3A_27 = arith.constant 0 : i32
      %dma_start3A_28 = arith.constant 0 : i32
      %dma_start3A_29 = tpu.memref_slice %arg2[%dma_start3A_27, %dma_start3A_28] : memref<10240x128xf32, #tpu.memory_space<hbm>> -> memref<10240x128xf32, #tpu.memory_space<hbm>>
      tpu.enqueue_indirect_dma source(%dma_start3A_29 : memref<10240x128xf32, #tpu.memory_space<hbm>>) target(%arg10 : memref<64x128xf32, #tpu.memory_space<vmem>>) offsets(%dma_start3A_26 : memref<64xi32, #tpu.memory_space<vmem>>) semaphore(%arg15 : memref<!tpu.dma_semaphore, #tpu.memory_space<semaphore_mem>>)
      %dma_start3A_30 = arith.constant 2 : i32
      %dma_start3A_31 = arith.constant 0 : i32
      %dma_start3A_32 = tpu.memref_slice %arg7[%dma_start3A_30, %dma_start3A_31] : memref<32x64xi32, #tpu.memory_space<vmem>> -> memref<1x64xi32, #tpu.memory_space<vmem>>
      %dma_start3A_33 = tpu.memref_squeeze %dma_start3A_32 : memref<1x64xi32, #tpu.memory_space<vmem>> -> memref<64xi32, #tpu.memory_space<vmem>>
      %dma_start3A_34 = arith.constant 0 : i32
      %dma_start3A_35 = arith.constant 0 : i32
      %dma_start3A_36 = tpu.memref_slice %arg2[%dma_start3A_34, %dma_start3A_35] : memref<10240x128xf32, #tpu.memory_space<hbm>> -> memref<10240x128xf32, #tpu.memory_space<hbm>>
      tpu.enqueue_indirect_dma source(%dma_start3A_36 : memref<10240x128xf32, #tpu.memory_space<hbm>>) target(%arg11 : memref<64x128xf32, #tpu.memory_space<vmem>>) offsets(%dma_start3A_33 : memref<64xi32, #tpu.memory_space<vmem>>) semaphore(%arg16 : memref<!tpu.dma_semaphore, #tpu.memory_space<semaphore_mem>>)
      %scan3A_37 = arith.constant 0 : i32
      %scan3A_38 = arith.constant 0 : i32
      %scan3A_39 = arith.constant 8 : i32
      %scan3A_40 = arith.addi %scan3A_38, %scan3A_39 : i32
      %scan3A_41 = arith.constant 1 : i32
      scf.for %scan3A_43 = %scan3A_38 to %scan3A_40 step %scan3A_41  : i32 {
        %mul3A_44 = arith.constant 4 : i32
        %mul3A_45 = arith.muli %scan3A_43, %mul3A_44 : i32
        %add3A_46 = arith.constant 0 : i32
        %add3A_47 = arith.addi %mul3A_45, %add3A_46 : i32
        %add3A_48 = arith.constant 4 : i32
        %add3A_49 = arith.addi %add3A_47, %add3A_48 : i32
        %sub3A = arith.constant 1 : i32
        %sub3A_50 = arith.subi %add3A_49, %sub3A : i32
        %lt3A = arith.constant 32 : i32
        %lt3A_51 = arith.cmpi slt, %sub3A_50, %lt3A : i32
        %convert_element_type3A = arith.extui %lt3A_51 : i1 to i32
        %cond3A = arith.constant 0 : i32
        %cond3A_52 = arith.cmpi ne, %convert_element_type3A, %cond3A : i32
        scf.if %cond3A_52 {
          %add3A_115 = arith.constant 4 : i32
          %add3A_116 = arith.addi %add3A_47, %add3A_115 : i32
          %sub3A_117 = arith.constant 1 : i32
          %sub3A_118 = arith.subi %add3A_116, %sub3A_117 : i32
          %dma_start3A_119 = arith.constant 0 : i32
          %dma_start3A_120 = tpu.memref_slice %arg7[%sub3A_118, %dma_start3A_119] : memref<32x64xi32, #tpu.memory_space<vmem>> -> memref<1x64xi32, #tpu.memory_space<vmem>>
          %dma_start3A_121 = tpu.memref_squeeze %dma_start3A_120 : memref<1x64xi32, #tpu.memory_space<vmem>> -> memref<64xi32, #tpu.memory_space<vmem>>
          %dma_start3A_122 = arith.constant 0 : i32
          %dma_start3A_123 = arith.constant 0 : i32
          %dma_start3A_124 = tpu.memref_slice %arg2[%dma_start3A_122, %dma_start3A_123] : memref<10240x128xf32, #tpu.memory_space<hbm>> -> memref<10240x128xf32, #tpu.memory_space<hbm>>
          tpu.enqueue_indirect_dma source(%dma_start3A_124 : memref<10240x128xf32, #tpu.memory_space<hbm>>) target(%arg12 : memref<64x128xf32, #tpu.memory_space<vmem>>) offsets(%dma_start3A_121 : memref<64xi32, #tpu.memory_space<vmem>>) semaphore(%arg17 : memref<!tpu.dma_semaphore, #tpu.memory_space<semaphore_mem>>)
        } else {
        }
        %dma_wait3A = arith.constant 0 : i32
        %dma_wait3A_53 = tpu.memref_slice %arg7[%add3A_47, %dma_wait3A] : memref<32x64xi32, #tpu.memory_space<vmem>> -> memref<1x64xi32, #tpu.memory_space<vmem>>
        %dma_wait3A_54 = tpu.memref_squeeze %dma_wait3A_53 : memref<1x64xi32, #tpu.memory_space<vmem>> -> memref<64xi32, #tpu.memory_space<vmem>>
        %dma_wait3A_55 = arith.constant 0 : i32
        %dma_wait3A_56 = arith.constant 0 : i32
        %dma_wait3A_57 = tpu.memref_slice %arg2[%dma_wait3A_55, %dma_wait3A_56] : memref<10240x128xf32, #tpu.memory_space<hbm>> -> memref<10240x128xf32, #tpu.memory_space<hbm>>
        tpu.wait_indirect_dma semaphore(%arg14 : memref<!tpu.dma_semaphore, #tpu.memory_space<semaphore_mem>>) src(%dma_wait3A_57 : memref<10240x128xf32, #tpu.memory_space<hbm>>) dst(%arg9 : memref<64x128xf32, #tpu.memory_space<vmem>>)
        "tpu.region"() ({
          %run_scoped3A = tpu.sem_alloc : memref<!tpu.dma_semaphore, #tpu.memory_space<semaphore_mem>>
          %dma_start3A_115 = arith.constant 0 : i32
          %dma_start3A_116 = tpu.memref_slice %arg8[%add3A_47, %dma_start3A_115] : memref<32x64xi32, #tpu.memory_space<vmem>> -> memref<1x64xi32, #tpu.memory_space<vmem>>
          %dma_start3A_117 = tpu.memref_squeeze %dma_start3A_116 : memref<1x64xi32, #tpu.memory_space<vmem>> -> memref<64xi32, #tpu.memory_space<vmem>>
          %dma_start3A_118 = arith.constant 0 : i32
          %dma_start3A_119 = arith.constant 0 : i32
          %dma_start3A_120 = tpu.memref_slice %arg13[%dma_start3A_118, %dma_start3A_119] : memref<10240x128xf32, #tpu.memory_space<vmem_shared>> -> memref<10240x128xf32, #tpu.memory_space<vmem_shared>>
          tpu.enqueue_indirect_dma source(%arg9 : memref<64x128xf32, #tpu.memory_space<vmem>>) target(%dma_start3A_120 : memref<10240x128xf32, #tpu.memory_space<vmem_shared>>) offsets(%dma_start3A_117 : memref<64xi32, #tpu.memory_space<vmem>>) semaphore(%run_scoped3A : memref<!tpu.dma_semaphore, #tpu.memory_space<semaphore_mem>>) {add = true}
          %dma_wait3A_121 = arith.constant 0 : i32
          %dma_wait3A_122 = tpu.memref_slice %arg8[%add3A_47, %dma_wait3A_121] : memref<32x64xi32, #tpu.memory_space<vmem>> -> memref<1x64xi32, #tpu.memory_space<vmem>>
          %dma_wait3A_123 = tpu.memref_squeeze %dma_wait3A_122 : memref<1x64xi32, #tpu.memory_space<vmem>> -> memref<64xi32, #tpu.memory_space<vmem>>
          %dma_wait3A_124 = arith.constant 0 : i32
          %dma_wait3A_125 = arith.constant 0 : i32
          %dma_wait3A_126 = tpu.memref_slice %arg13[%dma_wait3A_124, %dma_wait3A_125] : memref<10240x128xf32, #tpu.memory_space<vmem_shared>> -> memref<10240x128xf32, #tpu.memory_space<vmem_shared>>
          tpu.wait_indirect_dma semaphore(%run_scoped3A : memref<!tpu.dma_semaphore, #tpu.memory_space<semaphore_mem>>) src(%arg9 : memref<64x128xf32, #tpu.memory_space<vmem>>) dst(%dma_wait3A_126 : memref<10240x128xf32, #tpu.memory_space<vmem_shared>>)
          tpu.yield
        }) : () -> ()
        %mul3A_58 = arith.constant 4 : i32
        %mul3A_59 = arith.muli %scan3A_43, %mul3A_58 : i32
        %add3A_60 = arith.constant 1 : i32
        %add3A_61 = arith.addi %mul3A_59, %add3A_60 : i32
        %add3A_62 = arith.constant 4 : i32
        %add3A_63 = arith.addi %add3A_61, %add3A_62 : i32
        %sub3A_64 = arith.constant 1 : i32
        %sub3A_65 = arith.subi %add3A_63, %sub3A_64 : i32
        %lt3A_66 = arith.constant 32 : i32
        %lt3A_67 = arith.cmpi slt, %sub3A_65, %lt3A_66 : i32
        %convert_element_type3A_68 = arith.extui %lt3A_67 : i1 to i32
        %cond3A_69 = arith.constant 0 : i32
        %cond3A_70 = arith.cmpi ne, %convert_element_type3A_68, %cond3A_69 : i32
        scf.if %cond3A_70 {
          %add3A_115 = arith.constant 4 : i32
          %add3A_116 = arith.addi %add3A_61, %add3A_115 : i32
          %sub3A_117 = arith.constant 1 : i32
          %sub3A_118 = arith.subi %add3A_116, %sub3A_117 : i32
          %dma_start3A_119 = arith.constant 0 : i32
          %dma_start3A_120 = tpu.memref_slice %arg7[%sub3A_118, %dma_start3A_119] : memref<32x64xi32, #tpu.memory_space<vmem>> -> memref<1x64xi32, #tpu.memory_space<vmem>>
          %dma_start3A_121 = tpu.memref_squeeze %dma_start3A_120 : memref<1x64xi32, #tpu.memory_space<vmem>> -> memref<64xi32, #tpu.memory_space<vmem>>
          %dma_start3A_122 = arith.constant 0 : i32
          %dma_start3A_123 = arith.constant 0 : i32
          %dma_start3A_124 = tpu.memref_slice %arg2[%dma_start3A_122, %dma_start3A_123] : memref<10240x128xf32, #tpu.memory_space<hbm>> -> memref<10240x128xf32, #tpu.memory_space<hbm>>
          tpu.enqueue_indirect_dma source(%dma_start3A_124 : memref<10240x128xf32, #tpu.memory_space<hbm>>) target(%arg9 : memref<64x128xf32, #tpu.memory_space<vmem>>) offsets(%dma_start3A_121 : memref<64xi32, #tpu.memory_space<vmem>>) semaphore(%arg14 : memref<!tpu.dma_semaphore, #tpu.memory_space<semaphore_mem>>)
        } else {
        }
        %dma_wait3A_71 = arith.constant 0 : i32
        %dma_wait3A_72 = tpu.memref_slice %arg7[%add3A_61, %dma_wait3A_71] : memref<32x64xi32, #tpu.memory_space<vmem>> -> memref<1x64xi32, #tpu.memory_space<vmem>>
        %dma_wait3A_73 = tpu.memref_squeeze %dma_wait3A_72 : memref<1x64xi32, #tpu.memory_space<vmem>> -> memref<64xi32, #tpu.memory_space<vmem>>
        %dma_wait3A_74 = arith.constant 0 : i32
        %dma_wait3A_75 = arith.constant 0 : i32
        %dma_wait3A_76 = tpu.memref_slice %arg2[%dma_wait3A_74, %dma_wait3A_75] : memref<10240x128xf32, #tpu.memory_space<hbm>> -> memref<10240x128xf32, #tpu.memory_space<hbm>>
        tpu.wait_indirect_dma semaphore(%arg15 : memref<!tpu.dma_semaphore, #tpu.memory_space<semaphore_mem>>) src(%dma_wait3A_76 : memref<10240x128xf32, #tpu.memory_space<hbm>>) dst(%arg10 : memref<64x128xf32, #tpu.memory_space<vmem>>)
        "tpu.region"() ({
          %run_scoped3A = tpu.sem_alloc : memref<!tpu.dma_semaphore, #tpu.memory_space<semaphore_mem>>
          %dma_start3A_115 = arith.constant 0 : i32
          %dma_start3A_116 = tpu.memref_slice %arg8[%add3A_61, %dma_start3A_115] : memref<32x64xi32, #tpu.memory_space<vmem>> -> memref<1x64xi32, #tpu.memory_space<vmem>>
          %dma_start3A_117 = tpu.memref_squeeze %dma_start3A_116 : memref<1x64xi32, #tpu.memory_space<vmem>> -> memref<64xi32, #tpu.memory_space<vmem>>
          %dma_start3A_118 = arith.constant 0 : i32
          %dma_start3A_119 = arith.constant 0 : i32
          %dma_start3A_120 = tpu.memref_slice %arg13[%dma_start3A_118, %dma_start3A_119] : memref<10240x128xf32, #tpu.memory_space<vmem_shared>> -> memref<10240x128xf32, #tpu.memory_space<vmem_shared>>
          tpu.enqueue_indirect_dma source(%arg10 : memref<64x128xf32, #tpu.memory_space<vmem>>) target(%dma_start3A_120 : memref<10240x128xf32, #tpu.memory_space<vmem_shared>>) offsets(%dma_start3A_117 : memref<64xi32, #tpu.memory_space<vmem>>) semaphore(%run_scoped3A : memref<!tpu.dma_semaphore, #tpu.memory_space<semaphore_mem>>) {add = true}
          %dma_wait3A_121 = arith.constant 0 : i32
          %dma_wait3A_122 = tpu.memref_slice %arg8[%add3A_61, %dma_wait3A_121] : memref<32x64xi32, #tpu.memory_space<vmem>> -> memref<1x64xi32, #tpu.memory_space<vmem>>
          %dma_wait3A_123 = tpu.memref_squeeze %dma_wait3A_122 : memref<1x64xi32, #tpu.memory_space<vmem>> -> memref<64xi32, #tpu.memory_space<vmem>>
          %dma_wait3A_124 = arith.constant 0 : i32
          %dma_wait3A_125 = arith.constant 0 : i32
          %dma_wait3A_126 = tpu.memref_slice %arg13[%dma_wait3A_124, %dma_wait3A_125] : memref<10240x128xf32, #tpu.memory_space<vmem_shared>> -> memref<10240x128xf32, #tpu.memory_space<vmem_shared>>
          tpu.wait_indirect_dma semaphore(%run_scoped3A : memref<!tpu.dma_semaphore, #tpu.memory_space<semaphore_mem>>) src(%arg10 : memref<64x128xf32, #tpu.memory_space<vmem>>) dst(%dma_wait3A_126 : memref<10240x128xf32, #tpu.memory_space<vmem_shared>>)
          tpu.yield
        }) : () -> ()
        %mul3A_77 = arith.constant 4 : i32
        %mul3A_78 = arith.muli %scan3A_43, %mul3A_77 : i32
        %add3A_79 = arith.constant 2 : i32
        %add3A_80 = arith.addi %mul3A_78, %add3A_79 : i32
        %add3A_81 = arith.constant 4 : i32
        %add3A_82 = arith.addi %add3A_80, %add3A_81 : i32
        %sub3A_83 = arith.constant 1 : i32
        %sub3A_84 = arith.subi %add3A_82, %sub3A_83 : i32
        %lt3A_85 = arith.constant 32 : i32
        %lt3A_86 = arith.cmpi slt, %sub3A_84, %lt3A_85 : i32
        %convert_element_type3A_87 = arith.extui %lt3A_86 : i1 to i32
        %cond3A_88 = arith.constant 0 : i32
        %cond3A_89 = arith.cmpi ne, %convert_element_type3A_87, %cond3A_88 : i32
        scf.if %cond3A_89 {
          %add3A_115 = arith.constant 4 : i32
          %add3A_116 = arith.addi %add3A_80, %add3A_115 : i32
          %sub3A_117 = arith.constant 1 : i32
          %sub3A_118 = arith.subi %add3A_116, %sub3A_117 : i32
          %dma_start3A_119 = arith.constant 0 : i32
          %dma_start3A_120 = tpu.memref_slice %arg7[%sub3A_118, %dma_start3A_119] : memref<32x64xi32, #tpu.memory_space<vmem>> -> memref<1x64xi32, #tpu.memory_space<vmem>>
          %dma_start3A_121 = tpu.memref_squeeze %dma_start3A_120 : memref<1x64xi32, #tpu.memory_space<vmem>> -> memref<64xi32, #tpu.memory_space<vmem>>
          %dma_start3A_122 = arith.constant 0 : i32
          %dma_start3A_123 = arith.constant 0 : i32
          %dma_start3A_124 = tpu.memref_slice %arg2[%dma_start3A_122, %dma_start3A_123] : memref<10240x128xf32, #tpu.memory_space<hbm>> -> memref<10240x128xf32, #tpu.memory_space<hbm>>
          tpu.enqueue_indirect_dma source(%dma_start3A_124 : memref<10240x128xf32, #tpu.memory_space<hbm>>) target(%arg10 : memref<64x128xf32, #tpu.memory_space<vmem>>) offsets(%dma_start3A_121 : memref<64xi32, #tpu.memory_space<vmem>>) semaphore(%arg15 : memref<!tpu.dma_semaphore, #tpu.memory_space<semaphore_mem>>)
        } else {
        }
        %dma_wait3A_90 = arith.constant 0 : i32
        %dma_wait3A_91 = tpu.memref_slice %arg7[%add3A_80, %dma_wait3A_90] : memref<32x64xi32, #tpu.memory_space<vmem>> -> memref<1x64xi32, #tpu.memory_space<vmem>>
        %dma_wait3A_92 = tpu.memref_squeeze %dma_wait3A_91 : memref<1x64xi32, #tpu.memory_space<vmem>> -> memref<64xi32, #tpu.memory_space<vmem>>
        %dma_wait3A_93 = arith.constant 0 : i32
        %dma_wait3A_94 = arith.constant 0 : i32
        %dma_wait3A_95 = tpu.memref_slice %arg2[%dma_wait3A_93, %dma_wait3A_94] : memref<10240x128xf32, #tpu.memory_space<hbm>> -> memref<10240x128xf32, #tpu.memory_space<hbm>>
        tpu.wait_indirect_dma semaphore(%arg16 : memref<!tpu.dma_semaphore, #tpu.memory_space<semaphore_mem>>) src(%dma_wait3A_95 : memref<10240x128xf32, #tpu.memory_space<hbm>>) dst(%arg11 : memref<64x128xf32, #tpu.memory_space<vmem>>)
        "tpu.region"() ({
          %run_scoped3A = tpu.sem_alloc : memref<!tpu.dma_semaphore, #tpu.memory_space<semaphore_mem>>
          %dma_start3A_115 = arith.constant 0 : i32
          %dma_start3A_116 = tpu.memref_slice %arg8[%add3A_80, %dma_start3A_115] : memref<32x64xi32, #tpu.memory_space<vmem>> -> memref<1x64xi32, #tpu.memory_space<vmem>>
          %dma_start3A_117 = tpu.memref_squeeze %dma_start3A_116 : memref<1x64xi32, #tpu.memory_space<vmem>> -> memref<64xi32, #tpu.memory_space<vmem>>
          %dma_start3A_118 = arith.constant 0 : i32
          %dma_start3A_119 = arith.constant 0 : i32
          %dma_start3A_120 = tpu.memref_slice %arg13[%dma_start3A_118, %dma_start3A_119] : memref<10240x128xf32, #tpu.memory_space<vmem_shared>> -> memref<10240x128xf32, #tpu.memory_space<vmem_shared>>
          tpu.enqueue_indirect_dma source(%arg11 : memref<64x128xf32, #tpu.memory_space<vmem>>) target(%dma_start3A_120 : memref<10240x128xf32, #tpu.memory_space<vmem_shared>>) offsets(%dma_start3A_117 : memref<64xi32, #tpu.memory_space<vmem>>) semaphore(%run_scoped3A : memref<!tpu.dma_semaphore, #tpu.memory_space<semaphore_mem>>) {add = true}
          %dma_wait3A_121 = arith.constant 0 : i32
          %dma_wait3A_122 = tpu.memref_slice %arg8[%add3A_80, %dma_wait3A_121] : memref<32x64xi32, #tpu.memory_space<vmem>> -> memref<1x64xi32, #tpu.memory_space<vmem>>
          %dma_wait3A_123 = tpu.memref_squeeze %dma_wait3A_122 : memref<1x64xi32, #tpu.memory_space<vmem>> -> memref<64xi32, #tpu.memory_space<vmem>>
          %dma_wait3A_124 = arith.constant 0 : i32
          %dma_wait3A_125 = arith.constant 0 : i32
          %dma_wait3A_126 = tpu.memref_slice %arg13[%dma_wait3A_124, %dma_wait3A_125] : memref<10240x128xf32, #tpu.memory_space<vmem_shared>> -> memref<10240x128xf32, #tpu.memory_space<vmem_shared>>
          tpu.wait_indirect_dma semaphore(%run_scoped3A : memref<!tpu.dma_semaphore, #tpu.memory_space<semaphore_mem>>) src(%arg11 : memref<64x128xf32, #tpu.memory_space<vmem>>) dst(%dma_wait3A_126 : memref<10240x128xf32, #tpu.memory_space<vmem_shared>>)
          tpu.yield
        }) : () -> ()
        %mul3A_96 = arith.constant 4 : i32
        %mul3A_97 = arith.muli %scan3A_43, %mul3A_96 : i32
        %add3A_98 = arith.constant 3 : i32
        %add3A_99 = arith.addi %mul3A_97, %add3A_98 : i32
        %add3A_100 = arith.constant 4 : i32
        %add3A_101 = arith.addi %add3A_99, %add3A_100 : i32
        %sub3A_102 = arith.constant 1 : i32
        %sub3A_103 = arith.subi %add3A_101, %sub3A_102 : i32
        %lt3A_104 = arith.constant 32 : i32
        %lt3A_105 = arith.cmpi slt, %sub3A_103, %lt3A_104 : i32
        %convert_element_type3A_106 = arith.extui %lt3A_105 : i1 to i32
        %cond3A_107 = arith.constant 0 : i32
        %cond3A_108 = arith.cmpi ne, %convert_element_type3A_106, %cond3A_107 : i32
        scf.if %cond3A_108 {
          %add3A_115 = arith.constant 4 : i32
          %add3A_116 = arith.addi %add3A_99, %add3A_115 : i32
          %sub3A_117 = arith.constant 1 : i32
          %sub3A_118 = arith.subi %add3A_116, %sub3A_117 : i32
          %dma_start3A_119 = arith.constant 0 : i32
          %dma_start3A_120 = tpu.memref_slice %arg7[%sub3A_118, %dma_start3A_119] : memref<32x64xi32, #tpu.memory_space<vmem>> -> memref<1x64xi32, #tpu.memory_space<vmem>>
          %dma_start3A_121 = tpu.memref_squeeze %dma_start3A_120 : memref<1x64xi32, #tpu.memory_space<vmem>> -> memref<64xi32, #tpu.memory_space<vmem>>
          %dma_start3A_122 = arith.constant 0 : i32
          %dma_start3A_123 = arith.constant 0 : i32
          %dma_start3A_124 = tpu.memref_slice %arg2[%dma_start3A_122, %dma_start3A_123] : memref<10240x128xf32, #tpu.memory_space<hbm>> -> memref<10240x128xf32, #tpu.memory_space<hbm>>
          tpu.enqueue_indirect_dma source(%dma_start3A_124 : memref<10240x128xf32, #tpu.memory_space<hbm>>) target(%arg11 : memref<64x128xf32, #tpu.memory_space<vmem>>) offsets(%dma_start3A_121 : memref<64xi32, #tpu.memory_space<vmem>>) semaphore(%arg16 : memref<!tpu.dma_semaphore, #tpu.memory_space<semaphore_mem>>)
        } else {
        }
        %dma_wait3A_109 = arith.constant 0 : i32
        %dma_wait3A_110 = tpu.memref_slice %arg7[%add3A_99, %dma_wait3A_109] : memref<32x64xi32, #tpu.memory_space<vmem>> -> memref<1x64xi32, #tpu.memory_space<vmem>>
        %dma_wait3A_111 = tpu.memref_squeeze %dma_wait3A_110 : memref<1x64xi32, #tpu.memory_space<vmem>> -> memref<64xi32, #tpu.memory_space<vmem>>
        %dma_wait3A_112 = arith.constant 0 : i32
        %dma_wait3A_113 = arith.constant 0 : i32
        %dma_wait3A_114 = tpu.memref_slice %arg2[%dma_wait3A_112, %dma_wait3A_113] : memref<10240x128xf32, #tpu.memory_space<hbm>> -> memref<10240x128xf32, #tpu.memory_space<hbm>>
        tpu.wait_indirect_dma semaphore(%arg17 : memref<!tpu.dma_semaphore, #tpu.memory_space<semaphore_mem>>) src(%dma_wait3A_114 : memref<10240x128xf32, #tpu.memory_space<hbm>>) dst(%arg12 : memref<64x128xf32, #tpu.memory_space<vmem>>)
        "tpu.region"() ({
          %run_scoped3A = tpu.sem_alloc : memref<!tpu.dma_semaphore, #tpu.memory_space<semaphore_mem>>
          %dma_start3A_115 = arith.constant 0 : i32
          %dma_start3A_116 = tpu.memref_slice %arg8[%add3A_99, %dma_start3A_115] : memref<32x64xi32, #tpu.memory_space<vmem>> -> memref<1x64xi32, #tpu.memory_space<vmem>>
          %dma_start3A_117 = tpu.memref_squeeze %dma_start3A_116 : memref<1x64xi32, #tpu.memory_space<vmem>> -> memref<64xi32, #tpu.memory_space<vmem>>
          %dma_start3A_118 = arith.constant 0 : i32
          %dma_start3A_119 = arith.constant 0 : i32
          %dma_start3A_120 = tpu.memref_slice %arg13[%dma_start3A_118, %dma_start3A_119] : memref<10240x128xf32, #tpu.memory_space<vmem_shared>> -> memref<10240x128xf32, #tpu.memory_space<vmem_shared>>
          tpu.enqueue_indirect_dma source(%arg12 : memref<64x128xf32, #tpu.memory_space<vmem>>) target(%dma_start3A_120 : memref<10240x128xf32, #tpu.memory_space<vmem_shared>>) offsets(%dma_start3A_117 : memref<64xi32, #tpu.memory_space<vmem>>) semaphore(%run_scoped3A : memref<!tpu.dma_semaphore, #tpu.memory_space<semaphore_mem>>) {add = true}
          %dma_wait3A_121 = arith.constant 0 : i32
          %dma_wait3A_122 = tpu.memref_slice %arg8[%add3A_99, %dma_wait3A_121] : memref<32x64xi32, #tpu.memory_space<vmem>> -> memref<1x64xi32, #tpu.memory_space<vmem>>
          %dma_wait3A_123 = tpu.memref_squeeze %dma_wait3A_122 : memref<1x64xi32, #tpu.memory_space<vmem>> -> memref<64xi32, #tpu.memory_space<vmem>>
          %dma_wait3A_124 = arith.constant 0 : i32
          %dma_wait3A_125 = arith.constant 0 : i32
          %dma_wait3A_126 = tpu.memref_slice %arg13[%dma_wait3A_124, %dma_wait3A_125] : memref<10240x128xf32, #tpu.memory_space<vmem_shared>> -> memref<10240x128xf32, #tpu.memory_space<vmem_shared>>
          tpu.wait_indirect_dma semaphore(%run_scoped3A : memref<!tpu.dma_semaphore, #tpu.memory_space<semaphore_mem>>) src(%arg12 : memref<64x128xf32, #tpu.memory_space<vmem>>) dst(%dma_wait3A_126 : memref<10240x128xf32, #tpu.memory_space<vmem_shared>>)
          tpu.yield
        }) : () -> ()
      }
      %scan3A_42 = arith.constant 8 : i32
    }
    %scan3A_7 = arith.constant 5 : i32
    %barrier3A_8 = arith.constant 0 : index
    tpu.barrier barrier_id(%barrier3A_8)
    %mul3A_9 = arith.constant 10240 : i32
    %mul3A_10 = arith.muli %arg0, %mul3A_9 : i32
    %add3A_11 = arith.addi %mul3A_10, %mul3A_2 : i32
    "tpu.region"() ({
      %run_scoped3A = tpu.sem_alloc : memref<!tpu.dma_semaphore, #tpu.memory_space<semaphore_mem>>
      %dma_start3A = arith.constant 0 : i32
      %dma_start3A_12 = tpu.memref_slice %arg6[%add3A_11, %dma_start3A] : memref<20480x128xf32, #tpu.memory_space<hbm>> -> memref<640x128xf32, #tpu.memory_space<hbm>>
      %dma_start3A_13 = arith.constant 0 : i32
      %dma_start3A_14 = tpu.memref_slice %arg13[%mul3A_2, %dma_start3A_13] : memref<10240x128xf32, #tpu.memory_space<vmem_shared>> -> memref<640x128xf32, #tpu.memory_space<vmem_shared>>
      tpu.enqueue_dma source(%dma_start3A_14 : memref<640x128xf32, #tpu.memory_space<vmem_shared>>) target(%dma_start3A_12 : memref<640x128xf32, #tpu.memory_space<hbm>>) target_semaphore(%run_scoped3A : memref<!tpu.dma_semaphore, #tpu.memory_space<semaphore_mem>>)
      %dma_wait3A = arith.constant 0 : i32
      %dma_wait3A_15 = tpu.memref_slice %arg6[%add3A_11, %dma_wait3A] : memref<20480x128xf32, #tpu.memory_space<hbm>> -> memref<640x128xf32, #tpu.memory_space<hbm>>
      %dma_wait3A_16 = arith.constant 0 : i32
      %dma_wait3A_17 = tpu.memref_slice %arg13[%mul3A_2, %dma_wait3A_16] : memref<10240x128xf32, #tpu.memory_space<vmem_shared>> -> memref<640x128xf32, #tpu.memory_space<vmem_shared>>
      tpu.wait_dma2 semaphore(%run_scoped3A : memref<!tpu.dma_semaphore, #tpu.memory_space<semaphore_mem>>) src(%dma_wait3A_17 : memref<640x128xf32, #tpu.memory_space<vmem_shared>>) dst(%dma_wait3A_15 : memref<640x128xf32, #tpu.memory_space<hbm>>)
      tpu.yield
    }) : () -> ()
    return
  }
}

module attributes {stable_mosaic.version = 14 : i64} {
  func.func @_tc_scale_body(%arg0: i32, %arg1: memref<1280x128xf32, #tpu.memory_space<vmem>>, %arg2: memref<1280x128xf32, #tpu.memory_space<vmem>>, %arg3: memref<1280x128xf32, #tpu.memory_space<vmem>>, %arg4: memref<1280x128xf32, #tpu.memory_space<vmem>>) attributes {dimension_semantics = [#tpu.dimension_semantics<arbitrary>], iteration_bounds = array<i64: 8>, scalar_prefetch = 0 : i64, scratch_operands = 0 : i64, tpu.core_type = #tpu.core_type<tc>, window_params = [{transform_indices = @transform_0, window_bounds = array<i64: 1280, 128>}, {transform_indices = @transform_1, window_bounds = array<i64: 1280, 128>}, {transform_indices = @transform_2, window_bounds = array<i64: 1280, 128>}, {transform_indices = @transform_3, window_bounds = array<i64: 1280, 128>}]} {
    %get3A = arith.constant 0 : index
    %get3A_0 = arith.constant 0 : index
    %get3A_1 = vector.load %arg1[%get3A, %get3A_0] : memref<1280x128xf32, #tpu.memory_space<vmem>>, vector<1280x1xf32>
    %get3A_2 = vector.shape_cast %get3A_1 : vector<1280x1xf32> to vector<1280xf32>
    %get3A_3 = arith.constant 0 : index
    %get3A_4 = arith.constant 0 : index
    %get3A_5 = vector.load %arg2[%get3A_3, %get3A_4] : memref<1280x128xf32, #tpu.memory_space<vmem>>, vector<1280x1xf32>
    %get3A_6 = vector.shape_cast %get3A_5 : vector<1280x1xf32> to vector<1280xf32>
    %add3A = arith.addf %get3A_2, %get3A_6 : vector<1280xf32>
    %add3A_7 = arith.constant 1.000000e+00 : f32
    %add3A_8 = vector.broadcast %add3A_7 : f32 to vector<1280xf32>
    %add3A_9 = arith.addf %add3A, %add3A_8 : vector<1280xf32>
    %rsqrt3A = math.rsqrt %add3A_9 : vector<1280xf32>
    %get3A_10 = arith.constant 0 : index
    %get3A_11 = arith.constant 0 : index
    %get3A_12 = vector.load %arg3[%get3A_10, %get3A_11] : memref<1280x128xf32, #tpu.memory_space<vmem>>, vector<1280x128xf32>
    %broadcast_in_dim3A = vector.shape_cast %rsqrt3A : vector<1280xf32> to vector<1280x1xf32>
    %mul3A = vector.broadcast %broadcast_in_dim3A : vector<1280x1xf32> to vector<1280x128xf32>
    %mul3A_13 = arith.mulf %get3A_12, %mul3A : vector<1280x128xf32>
    %swap3A = arith.constant 0 : index
    %swap3A_14 = arith.constant 0 : index
    %swap3A_15 = vector.load %arg4[%swap3A, %swap3A_14] : memref<1280x128xf32, #tpu.memory_space<vmem>>, vector<1280x128xf32>
    tpu.vector_store %arg4[%swap3A, %swap3A_14], %mul3A_13 {strides = array<i32>} : memref<1280x128xf32, #tpu.memory_space<vmem>>, vector<1280x128xf32>,
    return
  }
  func.func @transform_0(%arg0: i32) -> (i32, i32) {
    %c0_i32 = arith.constant 0 : i32
    %c0_i32_0 = arith.constant 0 : i32
    return %arg0, %c0_i32 : i32, i32
  }
  func.func @transform_1(%arg0: i32) -> (i32, i32) {
    %add3A = arith.constant 8 : i32
    %add3A_0 = arith.addi %arg0, %add3A : i32
    %c0_i32 = arith.constant 0 : i32
    %c0_i32_1 = arith.constant 0 : i32
    return %add3A_0, %c0_i32 : i32, i32
  }
  func.func @transform_2(%arg0: i32) -> (i32, i32) {
    %c0_i32 = arith.constant 0 : i32
    %c0_i32_0 = arith.constant 0 : i32
    return %arg0, %c0_i32 : i32, i32
  }
  func.func @transform_3(%arg0: i32) -> (i32, i32) {
    %c0_i32 = arith.constant 0 : i32
    %c0_i32_0 = arith.constant 0 : i32
    return %arg0, %c0_i32 : i32, i32
  }
}

module attributes {stable_mosaic.version = 14 : i64} {
  func.func @_tc_mlp_body(%arg0: i32, %arg1: memref<1280x128xf32, #tpu.memory_space<vmem>>, %arg2: memref<1280x128xf32, #tpu.memory_space<vmem>>, %arg3: memref<1280x128xf32, #tpu.memory_space<vmem>>, %arg4: memref<1280x128xf32, #tpu.memory_space<vmem>>, %arg5: memref<1280x128xf32, #tpu.memory_space<vmem>>, %arg6: memref<128x256xf32, #tpu.memory_space<vmem>>, %arg7: memref<1x256xf32, #tpu.memory_space<vmem>>, %arg8: memref<256x128xf32, #tpu.memory_space<vmem>>, %arg9: memref<1x128xf32, #tpu.memory_space<vmem>>, %arg10: memref<128x256xf32, #tpu.memory_space<vmem>>, %arg11: memref<1x256xf32, #tpu.memory_space<vmem>>, %arg12: memref<256x128xf32, #tpu.memory_space<vmem>>, %arg13: memref<1x128xf32, #tpu.memory_space<vmem>>, %arg14: memref<1280x128xf32, #tpu.memory_space<vmem>>) attributes {dimension_semantics = [#tpu.dimension_semantics<arbitrary>], iteration_bounds = array<i64: 8>, scalar_prefetch = 0 : i64, scratch_operands = 0 : i64, tpu.core_type = #tpu.core_type<tc>, window_params = [{transform_indices = @transform_0, window_bounds = array<i64: 1280, 128>}, {transform_indices = @transform_1, window_bounds = array<i64: 1280, 128>}, {transform_indices = @transform_2, window_bounds = array<i64: 1280, 128>}, {transform_indices = @transform_3, window_bounds = array<i64: 1280, 128>}, {transform_indices = @transform_4, window_bounds = array<i64: 1280, 128>}, {pipeline_mode = #tpu.pipeline_mode<synchronous>, transform_indices = @transform_5, window_bounds = array<i64: 128, 256>}, {pipeline_mode = #tpu.pipeline_mode<synchronous>, transform_indices = @transform_6, window_bounds = array<i64: 1, 256>}, {pipeline_mode = #tpu.pipeline_mode<synchronous>, transform_indices = @transform_7, window_bounds = array<i64: 256, 128>}, {pipeline_mode = #tpu.pipeline_mode<synchronous>, transform_indices = @transform_8, window_bounds = array<i64: 1, 128>}, {pipeline_mode = #tpu.pipeline_mode<synchronous>, transform_indices = @transform_9, window_bounds = array<i64: 128, 256>}, {pipeline_mode = #tpu.pipeline_mode<synchronous>, transform_indices = @transform_10, window_bounds = array<i64: 1, 256>}, {pipeline_mode = #tpu.pipeline_mode<synchronous>, transform_indices = @transform_11, window_bounds = array<i64: 256, 128>}, {pipeline_mode = #tpu.pipeline_mode<synchronous>, transform_indices = @transform_12, window_bounds = array<i64: 1, 128>}, {transform_indices = @transform_13, window_bounds = array<i64: 1280, 128>}]} {
    %get3A = arith.constant 0 : index
    %get3A_0 = arith.constant 0 : index
    %get3A_1 = vector.load %arg4[%get3A, %get3A_0] : memref<1280x128xf32, #tpu.memory_space<vmem>>, vector<1280x1xf32>
    %get3A_2 = vector.shape_cast %get3A_1 : vector<1280x1xf32> to vector<1280xf32>
    %get3A_3 = arith.constant 0 : index
    %get3A_4 = arith.constant 0 : index
    %get3A_5 = vector.load %arg5[%get3A_3, %get3A_4] : memref<1280x128xf32, #tpu.memory_space<vmem>>, vector<1280x1xf32>
    %get3A_6 = vector.shape_cast %get3A_5 : vector<1280x1xf32> to vector<1280xf32>
    %add3A = arith.addf %get3A_2, %get3A_6 : vector<1280xf32>
    %add3A_7 = arith.constant 1.000000e+00 : f32
    %add3A_8 = vector.broadcast %add3A_7 : f32 to vector<1280xf32>
    %add3A_9 = arith.addf %add3A, %add3A_8 : vector<1280xf32>
    %rsqrt3A = math.rsqrt %add3A_9 : vector<1280xf32>
    %get3A_10 = arith.constant 0 : index
    %get3A_11 = arith.constant 0 : index
    %get3A_12 = vector.load %arg1[%get3A_10, %get3A_11] : memref<1280x128xf32, #tpu.memory_space<vmem>>, vector<1280x128xf32>
    %get3A_13 = arith.constant 0 : index
    %get3A_14 = arith.constant 0 : index
    %get3A_15 = vector.load %arg2[%get3A_13, %get3A_14] : memref<1280x128xf32, #tpu.memory_space<vmem>>, vector<1280x128xf32>
    %add3A_16 = arith.addf %get3A_12, %get3A_15 : vector<1280x128xf32>
    %get3A_17 = arith.constant 0 : index
    %get3A_18 = arith.constant 0 : index
    %get3A_19 = vector.load %arg3[%get3A_17, %get3A_18] : memref<1280x128xf32, #tpu.memory_space<vmem>>, vector<1280x128xf32>
    %add3A_20 = arith.addf %add3A_16, %get3A_19 : vector<1280x128xf32>
    %broadcast_in_dim3A = vector.shape_cast %rsqrt3A : vector<1280xf32> to vector<1280x1xf32>
    %mul3A = vector.broadcast %broadcast_in_dim3A : vector<1280x1xf32> to vector<1280x128xf32>
    %mul3A_21 = arith.mulf %add3A_20, %mul3A : vector<1280x128xf32>
    %get3A_22 = arith.constant 0 : index
    %get3A_23 = arith.constant 0 : index
    %get3A_24 = vector.load %arg6[%get3A_22, %get3A_23] : memref<128x256xf32, #tpu.memory_space<vmem>>, vector<128x256xf32>
    %dot_general3A = arith.constant dense<0.000000e+00> : vector<1280x256xf32>
    %dot_general3A_25 = tpu.matmul %mul3A_21, %get3A_24, %dot_general3A {dimension_numbers = #tpu.dot_dimension_numbers<[1], [0], [0], [1], [0, 0, 1, 1], [], []>, transpose_lhs_hint = false} : vector<1280x128xf32>, vector<128x256xf32>, vector<1280x256xf32> -> vector<1280x256xf32>
    %get3A_26 = arith.constant 0 : index
    %get3A_27 = arith.constant 0 : index
    %get3A_28 = vector.load %arg7[%get3A_26, %get3A_27] : memref<1x256xf32, #tpu.memory_space<vmem>>, vector<1x256xf32>
    %add3A_29 = vector.broadcast %get3A_28 : vector<1x256xf32> to vector<1280x256xf32>
    %add3A_30 = arith.addf %dot_general3A_25, %add3A_29 : vector<1280x256xf32>
    %max3A = arith.constant 0.000000e+00 : f32
    %max3A_31 = vector.broadcast %max3A : f32 to vector<1280x256xf32>
    %max3A_32 = arith.maximumf %add3A_30, %max3A_31 : vector<1280x256xf32>
    %get3A_33 = arith.constant 0 : index
    %get3A_34 = arith.constant 0 : index
    %get3A_35 = vector.load %arg8[%get3A_33, %get3A_34] : memref<256x128xf32, #tpu.memory_space<vmem>>, vector<256x128xf32>
    %dot_general3A_36 = arith.constant dense<0.000000e+00> : vector<1280x128xf32>
    %dot_general3A_37 = tpu.matmul %max3A_32, %get3A_35, %dot_general3A_36 {dimension_numbers = #tpu.dot_dimension_numbers<[1], [0], [0], [1], [0, 0, 1, 1], [], []>, transpose_lhs_hint = false} : vector<1280x256xf32>, vector<256x128xf32>, vector<1280x128xf32> -> vector<1280x128xf32>
    %get3A_38 = arith.constant 0 : index
    %get3A_39 = arith.constant 0 : index
    %get3A_40 = vector.load %arg9[%get3A_38, %get3A_39] : memref<1x128xf32, #tpu.memory_space<vmem>>, vector<1x128xf32>
    %add3A_41 = vector.broadcast %get3A_40 : vector<1x128xf32> to vector<1280x128xf32>
    %add3A_42 = arith.addf %dot_general3A_37, %add3A_41 : vector<1280x128xf32>
    %get3A_43 = arith.constant 0 : index
    %get3A_44 = arith.constant 0 : index
    %get3A_45 = vector.load %arg10[%get3A_43, %get3A_44] : memref<128x256xf32, #tpu.memory_space<vmem>>, vector<128x256xf32>
    %dot_general3A_46 = arith.constant dense<0.000000e+00> : vector<1280x256xf32>
    %dot_general3A_47 = tpu.matmul %add3A_42, %get3A_45, %dot_general3A_46 {dimension_numbers = #tpu.dot_dimension_numbers<[1], [0], [0], [1], [0, 0, 1, 1], [], []>, transpose_lhs_hint = false} : vector<1280x128xf32>, vector<128x256xf32>, vector<1280x256xf32> -> vector<1280x256xf32>
    %get3A_48 = arith.constant 0 : index
    %get3A_49 = arith.constant 0 : index
    %get3A_50 = vector.load %arg11[%get3A_48, %get3A_49] : memref<1x256xf32, #tpu.memory_space<vmem>>, vector<1x256xf32>
    %add3A_51 = vector.broadcast %get3A_50 : vector<1x256xf32> to vector<1280x256xf32>
    %add3A_52 = arith.addf %dot_general3A_47, %add3A_51 : vector<1280x256xf32>
    %max3A_53 = arith.constant 0.000000e+00 : f32
    %max3A_54 = vector.broadcast %max3A_53 : f32 to vector<1280x256xf32>
    %max3A_55 = arith.maximumf %add3A_52, %max3A_54 : vector<1280x256xf32>
    %get3A_56 = arith.constant 0 : index
    %get3A_57 = arith.constant 0 : index
    %get3A_58 = vector.load %arg12[%get3A_56, %get3A_57] : memref<256x128xf32, #tpu.memory_space<vmem>>, vector<256x128xf32>
    %dot_general3A_59 = arith.constant dense<0.000000e+00> : vector<1280x128xf32>
    %dot_general3A_60 = tpu.matmul %max3A_55, %get3A_58, %dot_general3A_59 {dimension_numbers = #tpu.dot_dimension_numbers<[1], [0], [0], [1], [0, 0, 1, 1], [], []>, transpose_lhs_hint = false} : vector<1280x256xf32>, vector<256x128xf32>, vector<1280x128xf32> -> vector<1280x128xf32>
    %get3A_61 = arith.constant 0 : index
    %get3A_62 = arith.constant 0 : index
    %get3A_63 = vector.load %arg13[%get3A_61, %get3A_62] : memref<1x128xf32, #tpu.memory_space<vmem>>, vector<1x128xf32>
    %add3A_64 = vector.broadcast %get3A_63 : vector<1x128xf32> to vector<1280x128xf32>
    %add3A_65 = arith.addf %dot_general3A_60, %add3A_64 : vector<1280x128xf32>
    %swap3A = arith.constant 0 : index
    %swap3A_66 = arith.constant 0 : index
    %swap3A_67 = vector.load %arg14[%swap3A, %swap3A_66] : memref<1280x128xf32, #tpu.memory_space<vmem>>, vector<1280x128xf32>
    tpu.vector_store %arg14[%swap3A, %swap3A_66], %add3A_65 {strides = array<i32>} : memref<1280x128xf32, #tpu.memory_space<vmem>>, vector<1280x128xf32>,
    return
  }
  func.func @transform_0(%arg0: i32) -> (i32, i32) {
    %c0_i32 = arith.constant 0 : i32
    %c0_i32_0 = arith.constant 0 : i32
    return %arg0, %c0_i32 : i32, i32
  }
  func.func @transform_1(%arg0: i32) -> (i32, i32) {
    %add3A = arith.constant 8 : i32
    %add3A_0 = arith.addi %arg0, %add3A : i32
    %c0_i32 = arith.constant 0 : i32
    %c0_i32_1 = arith.constant 0 : i32
    return %add3A_0, %c0_i32 : i32, i32
  }
  func.func @transform_2(%arg0: i32) -> (i32, i32) {
    %c0_i32 = arith.constant 0 : i32
    %c0_i32_0 = arith.constant 0 : i32
    return %arg0, %c0_i32 : i32, i32
  }
  func.func @transform_3(%arg0: i32) -> (i32, i32) {
    %c0_i32 = arith.constant 0 : i32
    %c0_i32_0 = arith.constant 0 : i32
    return %arg0, %c0_i32 : i32, i32
  }
  func.func @transform_4(%arg0: i32) -> (i32, i32) {
    %add3A = arith.constant 8 : i32
    %add3A_0 = arith.addi %arg0, %add3A : i32
    %c0_i32 = arith.constant 0 : i32
    %c0_i32_1 = arith.constant 0 : i32
    return %add3A_0, %c0_i32 : i32, i32
  }
  func.func @transform_5(%arg0: i32) -> (i32, i32) {
    %c0_i32 = arith.constant 0 : i32
    %c0_i32_0 = arith.constant 0 : i32
    %c0_i32_1 = arith.constant 0 : i32
    return %c0_i32, %c0_i32_0 : i32, i32
  }
  func.func @transform_6(%arg0: i32) -> (i32, i32) {
    %c0_i32 = arith.constant 0 : i32
    %c0_i32_0 = arith.constant 0 : i32
    %c0_i32_1 = arith.constant 0 : i32
    return %c0_i32, %c0_i32_0 : i32, i32
  }
  func.func @transform_7(%arg0: i32) -> (i32, i32) {
    %c0_i32 = arith.constant 0 : i32
    %c0_i32_0 = arith.constant 0 : i32
    %c0_i32_1 = arith.constant 0 : i32
    return %c0_i32, %c0_i32_0 : i32, i32
  }
  func.func @transform_8(%arg0: i32) -> (i32, i32) {
    %c0_i32 = arith.constant 0 : i32
    %c0_i32_0 = arith.constant 0 : i32
    %c0_i32_1 = arith.constant 0 : i32
    return %c0_i32, %c0_i32_0 : i32, i32
  }
  func.func @transform_9(%arg0: i32) -> (i32, i32) {
    %c0_i32 = arith.constant 0 : i32
    %c0_i32_0 = arith.constant 0 : i32
    %c0_i32_1 = arith.constant 0 : i32
    return %c0_i32, %c0_i32_0 : i32, i32
  }
  func.func @transform_10(%arg0: i32) -> (i32, i32) {
    %c0_i32 = arith.constant 0 : i32
    %c0_i32_0 = arith.constant 0 : i32
    %c0_i32_1 = arith.constant 0 : i32
    return %c0_i32, %c0_i32_0 : i32, i32
  }
  func.func @transform_11(%arg0: i32) -> (i32, i32) {
    %c0_i32 = arith.constant 0 : i32
    %c0_i32_0 = arith.constant 0 : i32
    %c0_i32_1 = arith.constant 0 : i32
    return %c0_i32, %c0_i32_0 : i32, i32
  }
  func.func @transform_12(%arg0: i32) -> (i32, i32) {
    %c0_i32 = arith.constant 0 : i32
    %c0_i32_0 = arith.constant 0 : i32
    %c0_i32_1 = arith.constant 0 : i32
    return %c0_i32, %c0_i32_0 : i32, i32
  }
  func.func @transform_13(%arg0: i32) -> (i32, i32) {
    %c0_i32 = arith.constant 0 : i32
    %c0_i32_0 = arith.constant 0 : i32
    return %arg0, %c0_i32 : i32, i32
  }
}

</mosaic_0001>

<sc_bundles>
// kernel: kernel.6.cloned.1.call-start
scs
__scs_entry_jumppad:
0x0: {  	(pc) =	sbr.rel $0x88, $3  }
0x1: {  	(tag) =	ssettag $0x0;
	lr =	simm.s32 $0x1  }
0x2: {  	[smem:$0x3F97] =	sst lr;
	_ =	strace $0xD0000000  }
0x3: {  	_ = 	snop  }
0x4: {  	_ = 	snop  }
0x5: {  	_ = 	snop  }
0x6: {  	_ = 	snop  }
0x7: {  	_ = 	snop  }
__scs_overlays_trampoline_lowered:
0x8: {  	[smem:$0x3FA6] =	sst s0  }
0x9: {  	[smem:$0x3FA7] =	sst s1  }
0xa: {  	[smem:$0x3FA8] =	sst s2  }
0xb: {  	[smem:$0x3FA9] =	sst s3  }
0xc: {  	[smem:$0x3FAA] =	sst s4  }
0xd: {  	[smem:$0x3FAB] =	sst s5  }
0xe: {  	[smem:$0x3FAC] =	sst s6  }
0xf: {  	[smem:$0x3FAD] =	sst s7  }
0x10: {  	[smem:$0x3FAE] =	sst s8  }
0x11: {  	[smem:$0x3FAF] =	sst s9;
	s0 =	simm.s32 @!p0 $0x0  }
0x12: {  	s1 =	sld [smem:$0x3F95];
	s0 =	simm.s32 @p0 $0x1  }
0x13: {  	[smem:$0x3FB0] =	sst s0;
	s0 =	simm.s32 @!p1 $0x0  }
0x14: {  	s2 =	sld [smem:$0x3F94];
	s0 =	simm.s32 @p1 $0x1  }
0x15: {  	[smem:$0x3FB1] =	sst s0;
	s0 =	simm.s32 @!p2 $0x0  }
0x16: {  	s3 =	sld [smem:$0x3FDB];
	s0 =	simm.s32 @p2 $0x1  }
0x17: {  	s4 =	simm.s32 $0x1BF5;
	[smem:$0x3FB3] =	sst s0  }
0x18: {  	s0 =	sld [smem:$0x3F96];
	_ =	swait.ge [sflag:s4], $0x0  }
0x19: {  	s7 =	sld [smem:$0x3F97]  }
0x1a: {  	s8 =	sadd.s32 $0xFFFFE003, lr  }
0x1b: {  	s9 =	sadd.s32 $0xFFFFFEF7, lr;
	s5 =	simm.s32 $0xFFFFFFFF;
	p2 =	slt.u32 s8, $0xFFFFF086  }
0x1c: {  	p1 =	slt.u32 s9, $0xF7A;
	s5 =	simm.s32 @!p2 $0x0  }
0x1d: {  	s5 =	simm.s32 @p1 $0x1;
	p0 =	seq.s32 s7, s2  }
0x1e: {  	s7 =	smul.u32 @!p0 $0xF7A, s2;
	p2 =	seq.s32 @!p0 s5, $0x0  }
0x1f: {  	s9 =	smul.u32 $0xF7A, s1;
	s8 =	simm.s32 @!p0 $0x1BF5;
	p2 =	por !p2, p0  }
0x20: {  	[sflag:s8] =	ssyncset.s32 @!p0 $0xFFFFF086;
	s6 =	sadd.s32 @!p0 s3, s7;
	s7 =	simm.s32 @!p0 $0x108  }
0x21: {  	s3 =	sadd.s32 s3, s9;
	s6 =	sadd.s32 @!p0 $0x88, s6;
	s7 =	simm.s32 @p2 $0x1082  }
0x22: {  	[simem:s7], [sflag:s8] =	dma.local @!p0 [hbm:s6], $0xF7A  }
0x23: {  	s9 =	sor.u32 $0xD0000000, s2;
	s6 =	simm.s32 $0x108;
	_ =	swait.ge @!p0 [sflag:s8], $0x0  }
0x24: {  	s3 =	sadd.s32 $0x88, s3;
	s6 =	simm.s32 @!p1 $0x1082;
	[sflag:s4] =	ssyncset.s32 $0xFFFFF086  }
0x25: {  	[simem:s6], [sflag:s4] =	dma.local [hbm:s3], $0xF7A  }
0x26: {  	[smem:$0x3F97] =	sst s1;
	(tag) =	ssettag s2;
	_ =	strace s9  }
0x27: {  	s1 =	sld [smem:$0x3FA7]  }
0x28: {  	s2 =	sld [smem:$0x3FA8]  }
0x29: {  	s4 =	sld [smem:$0x3FAA]  }
0x2a: {  	p0 =	seq.s32 s5, $0x0;
	s5 =	sld [smem:$0x3FAB]  }
0x2b: {  	s6 =	sld [smem:$0x3FAC]  }
0x2c: {  	s7 =	sld [smem:$0x3FAD]  }
0x2d: {  	s3 =	simm.s32 $0x108;
	s8 =	sld [smem:$0x3FAE]  }
0x2e: {  	s3 =	simm.s32 @!p0 $0x1082;
	s9 =	sld [smem:$0x3FAF]  }
0x2f: {  	lr =	sadd.s32 s0, s3;
	s0 =	sld [smem:$0x3FA6]  }
0x30: {  	s3 =	sld [smem:$0x3FA9]  }
0x31: {  	[smem:$0x3FB2] =	sst s10  }
0x32: {  	s10 =	sld [smem:$0x3FB0];
	_ =	sdelay $0x3  }
0x33: {  	p0 =	seq.s32 s10, $0x1;
	s10 =	sld [smem:$0x3FB2];
	_ =	sdelay $0x3  }
0x34: {  	[smem:$0x3FB2] =	sst s10  }
0x35: {  	s10 =	sld [smem:$0x3FB1];
	_ =	sdelay $0x3  }
0x36: {  	p1 =	seq.s32 s10, $0x1;
	s10 =	sld [smem:$0x3FB2];
	_ =	sdelay $0x3  }
0x37: {  	[smem:$0x3FB2] =	sst s10  }
0x38: {  	s10 =	sld [smem:$0x3FB3]  }
0x39: {  	_ = 	snop;
	(pc) =	sbr.ind lr, $3  }
0x3a: {  	_ = 	snop  }
0x3b: {  	_ = 	snop  }
0x3c: {  	p2 =	seq.s32 s10, $0x1;
	s10 =	sld [smem:$0x3FB2]  }
0x3d: {  	_ =	shalt  }
0x3e: {  	_ =	shalt  }
0x3f: {  	_ =	shalt  }
0x40: {  	_ =	shalt  }
0x41: {  	_ =	shalt  }
0x42: {  	_ =	shalt  }
0x43: {  	_ =	shalt  }
0x44: {  	_ =	shalt  }
0x45: {  	_ =	shalt  }
0x46: {  	_ =	shalt  }
0x47: {  	_ =	shalt  }
0x48: {  	_ =	shalt  }
0x49: {  	_ =	shalt  }
0x4a: {  	_ =	shalt  }
0x4b: {  	_ =	shalt  }
0x4c: {  	_ =	shalt  }
0x4d: {  	_ =	shalt  }
0x4e: {  	_ =	shalt  }
0x4f: {  	_ =	shalt  }
0x50: {  	_ =	shalt  }
0x51: {  	_ =	shalt  }
0x52: {  	_ =	shalt  }
0x53: {  	_ =	shalt  }
0x54: {  	_ =	shalt  }
0x55: {  	_ =	shalt  }
0x56: {  	_ =	shalt  }
0x57: {  	_ =	shalt  }
0x58: {  	_ =	shalt  }
0x59: {  	_ =	shalt  }
0x5a: {  	_ =	shalt  }
0x5b: {  	_ =	shalt  }
0x5c: {  	_ =	shalt  }
0x5d: {  	_ =	shalt  }
0x5e: {  	_ =	shalt  }
0x5f: {  	_ =	shalt  }
0x60: {  	_ =	shalt  }
0x61: {  	_ =	shalt  }
0x62: {  	_ =	shalt  }
0x63: {  	_ =	shalt  }
0x64: {  	_ =	shalt  }
0x65: {  	_ =	shalt  }
0x66: {  	_ =	shalt  }
0x67: {  	_ =	shalt  }
0x68: {  	_ =	shalt  }
0x69: {  	_ =	shalt  }
0x6a: {  	_ =	shalt  }
0x6b: {  	_ =	shalt  }
0x6c: {  	_ =	shalt  }
0x6d: {  	_ =	shalt  }
0x6e: {  	_ =	shalt  }
0x6f: {  	_ =	shalt  }
0x70: {  	_ =	shalt  }
0x71: {  	_ =	shalt  }
0x72: {  	_ =	shalt  }
0x73: {  	_ =	shalt  }
0x74: {  	_ =	shalt  }
0x75: {  	_ =	shalt  }
0x76: {  	_ =	shalt  }
0x77: {  	_ =	shalt  }
0x78: {  	_ =	shalt  }
0x79: {  	_ =	shalt  }
0x7a: {  	_ =	shalt  }
0x7b: {  	_ =	shalt  }
0x7c: {  	_ =	shalt  }
0x7d: {  	_ =	shalt  }
0x7e: {  	_ =	shalt  }
0x7f: {  	_ =	shalt  }
0x80: {  	_ =	shalt  }
0x81: {  	_ =	shalt  }
0x82: {  	_ =	shalt  }
0x83: {  	_ =	shalt  }
0x84: {  	_ =	shalt  }
0x85: {  	_ =	shalt  }
0x86: {  	_ =	shalt  }
0x87: {  	_ =	shalt  }
.Lfunc_end0:
.L_simem_size_0:
called_computation_lowered:
.L_overlay_start_0:
0x88: {  	s2 =	sld [smem:$0x3FD9]  }
0x89: {  	s3 =	sld [smem:$0x3FFE];
	_ =	sdelay $0x1  }
0x8a: {  	s1 =	srdreg.scid  }
0x8b: {  	s0 =	sand.u32 $0x1, s1  }
0x8c: {  	s16 =	sshll.u32 s0, $0xA;
	s2 =	sadd.s32 s3, s2  }
0x8d: {  	s2 =	sadd.s32 s2, s16  }
0x8e: {  	[smem:$0x3FBE] =	sst s2  }
0x8f: {  	_ = 	snop  }
0x90: {  	(tm) =	ssettm $0x1  }
0x91: {  	s17 =	sld [smem:$0x3FFB];
	_ =	sdelay $0x3  }
0x92: {  	_ =	strace s17  }
0x93: {  	s2 =	sld [smem:$0x3FFC];
	_ =	sdelay $0x3  }
0x94: {  	_ =	strace s2  }
0x95: {  	s2 =	sld [smem:$0x3FFD];
	_ =	sdelay $0x3  }
0x96: {  	_ =	strace s2  }
0x97: {  	_ =	strace $0x8FFFFFFF  }
0x98: {  	s18 =	sld [smem:$0x3FDB];
	_ =	sdelay $0x1  }
0x99: {  	s19 =	simm.s32 $_scs_section_size  }
0x9a: {  	s4 =	simm.s32 $_size__tile_overlayer_lowered;
	s5 =	simm.s32 $_tile_overlayer_lowered  }
0x9b: {  	s22 =	simm.s32 $0x1BFF;
	s21 =	sshll.u32 s5, $0x1;
	s2 =	sadd.s32 s19, s18  }
0x9c: {  	s6 =	simm.s32 $0x0;
	s20 =	sshll.u32 s4, $0x1;
	s4 =	sadd.s32 s21, s2  }
0x9d: {  	[timem:s6], [sflag:s22] =	dma.local [hbm:s4], s20  }
0x9e: {  	_ =	swait.ge [sflag:s22], s20  }
0x9f: {  	s3 =	ssub.s32 $0x0, s20;
	[sflag:s22] =	ssyncset.done $0x0  }
0xa0: {  	[sflag:s22] =	ssyncadd.s32 s3;
	_ =	sdelay $0x1  }
0xa1: {  	s23 =	simm.s32 $0x1B8B  }
0xa2: {  	_ =	swait.ge [sflag:s23], $0x1  }
0xa3: {  	[sflag:s23] =	ssyncset.done $0x0  }
0xa4: {  	s25 =	simm.s32 $0x1B8E;
	s24 =	sld [smem:$0x3FFE];
	[sflag:s23] =	ssyncadd.s32 $0xFFFFFFFF  }
0xa5: {  	s26 =	simm.s32 $execute0_lowered;
	[smem:$0x3FD2] =	sst s25  }
0xa6: {  	s4 =	sshll.u32 s26, $0x1;
	_ =	strace $0x80000046;
	[dreg:$0x1] =	wrdreg $0xFFFFFFFF  }
0xa7: {  	s28 =	simm.s32 $_size_execute0_lowered;
	s2 =	sadd.s32 s2, s4;
	[dreg:$0x0] =	wrdreg $0x0  }
0xa8: {  	s4 =	sshll.u32 s28, $0x1;
	[dreg:$0x2] =	wrdreg s2  }
0xa9: {  	[dreg:$0x3] =	wrdreg s4  }
0xaa: {  	[dreg:$0x4] =	wrdreg $0xC0  }
0xab: {  	_ =	task [dreg:s6], $0x5FFFF  }
0xac: {  	[dreg:$0x1] =	wrdreg $0xFFFFFFFF  }
0xad: {  	[dreg:$0x0] =	wrdreg $0x60  }
0xae: {  	[dreg:$0x2] =	wrdreg s24  }
0xaf: {  	[dreg:$0x3] =	wrdreg $0x68000  }
0xb0: {  	[dreg:$0x4] =	wrdreg $0x9  }
0xb1: {  	_ =	task.clear_ibuf [dreg:s6], $0x5FFFF;
	_ =	strace $0x90000046  }
0xb2: {  	s29 =	simm.s32 $0x9;
	_ =	strace $0x80000048  }
0xb3: {  	_ =	swait.ge [sflag:s29], $0x1  }
0xb4: {  	[sflag:s29] =	ssyncadd.s32 $0xFFFFFFFF  }
0xb5: {  	_ =	strace $0x90000048  }
0xb6: {  	_ =	sfence  }
0xb7: {  	s30 =	sld [smem:$0x0];
	_ =	sdelay $0x2  }
0xb8: {  	s31 =	sshll.u32 s1, $0xD;
	s1 =	sshrl.u32 s1, $0x2  }
0xb9: {  	s3 =	sand.u32 $0x4000, s31;
	s1 =	sadd.s32 s1, s30  }
0xba: {  	s0 =	sor.u32 s3, s0;
	s1 =	sshll.u32 s1, $0x11  }
0xbb: {  	s0 =	sor.u32 s1, s0  }
0xbc: {  	s0 =	sadd.s32 $0x8F2B, s0  }
0xbd: {  	[sflag:s0] =	ssyncadd.remote.s32 $0x1  }
0xbe: {  	_ =	sfence.sel $0xFFFF  }
0xbf: {  	[dreg:$0x0] =	wrdreg $0xFFFFFFFF;
	(pc) =	sbr.abs _section_cstart, $3  }
0xc0: {  	[dreg:$0x1] =	wrdreg $0xFFFFFFFF  }
0xc1: {  	_ =	task.clear_ibuf [dreg:s6], $0x2FFFF;
	_ =	strace $0x9FFFFFFF  }
0xc2: {  	(tm) =	ssettm $0x7FFFFFFF  }
0xc3: {  	_ =	shalt  }
tec
execute0_lowered:
.L_overlay_start_1:
0x0: {  	(tag) =	ssettag $0x1  }
0x1: {  	s1 =	srdreg.scid;
	s6 =	rddreg [dreg:$0x0]  }
0x2: {  	s0 =	stileid.u32;
	s2 =	rddreg [dreg:$0x1];
	s3 =	simm.s32 $0x0  }
0x3: {  	s13 =	simm.s32 $0x80;
	s14 =	simm.s32 $0x0;
	s7 =	sand.u32 $0x1, s1  }
0x4: {  	s26 =	sshll.u32 s0, $0x1;
	s1 =	rddreg [dreg:$0x2];
	s8 =	smul.u32 $0x2800, s0  }
0x5: {  	[smem:$0x7FF] =	sst s3;
	s11 =	smul.u32 $0x50000, s0;
	s5 =	sadd.s32 $0xCA00, s6  }
0x6: {  	s31 =	sshll.u32 s0, $0x6;
	s4 =	sor.u32 s7, s26;
	s9 =	smul.u32 $0x28000, s7  }
0x7: {  	_ =	strace $0x80000047;
	s7 =	ssub.s32 $0x2, s7;
	s4 =	smul.u32 $0x500, s4  }
0x8: {  	s28 =	sshrl.u32 s7, $0x1;
	s29 =	sshrl.u32 s11, $0x2;
	s11 =	simm.s32 $0x1  }
0x9: {  	s8 =	sadd.s32 s8, s9;
	s30 =	ssub.s32 s7, s28;
	s12 =	sadd.s32 s29, s2  }
0xa: {  	s10 =	sadd.s32 s4, s6;
	s4 =	sadd.s32 $0xC200, s6;
	s8 =	sadd.s32 s8, s6  }
0xb: {  	s6 =	sor.u32 $0x1C01, s31;
	s9 =	smax.u32 s30, $0x1;
	s7 =	sadd.s32 $0x2200, s10  }
0xc: {  	s8 =	sadd.s32 $0xF200, s8;
	s10 =	sshrl.u32 s12, $0x3;
	s12 =	simm.s32 $0x2800  }
.LBB2_1:
0xd: {  	[spmem:s10], [sflag:s6] =	dma.local [hbm:s5], $0x2800  }
0xe: {  	_ =	swait.ge [sflag:s11], $0x2800  }
0xf: {  	[sflag:s11] =	ssyncset.done $0x0  }
0x10: {  	[sflag:s11] =	ssyncadd.s32 $0xFFFFD800  }
0x11: {  	[tilespmem:s3], [sflag:$0x1] =	stream.linear.gather [hbm4b:s7+s3], $0x2800, $0x38;
	[tilespmem:$0x1A800] =	vst v63  }
0x12: {  	_ =	swait.ge [sflag:s11], $0x2800  }
0x13: {  	[sflag:s11] =	ssyncset.done $0x0  }
0x14: {  	[sflag:s11] =	ssyncadd.s32 $0xFFFFD800  }
0x15: {  	[tilespmem:s12], [sflag:$0x1] =	stream.linear.gather [hbm4b:s4+s3], $0x4000, $0x38;
	[tilespmem:$0x1A800] =	vst v63  }
0x16: {  	_ =	swait.ge [sflag:s11], $0x4000  }
0x17: {  	[sflag:s11] =	ssyncset.done $0x0  }
0x18: {  	[sflag:s11] =	ssyncadd.s32 $0xFFFFC000  }
0x19: {  	s15 =	simm.s32 $0x0;
	[bflag:$0x0] =	sbarrier.arrive $0xFFFF  }
0x1a: {  	[spmem:s2] =	stream.indirect.scatter.add.f32 [tilespmem:s12], [sflag:$0x1], $0x80, s15, s13, $0xb8;
	[tilespmem:$0x1A800] =	vst v63  }
0x1b: {  	_ =	swait.ge [sflag:s11], $0x4000  }
0x1c: {  	s15 =	simm.s32 $0x200;
	[sflag:s11] =	ssyncset.done $0x0  }
.LBB2_2:
0x1d: {  	s16 =	sshra.s32 s15, $0x2;
	[sflag:s11] =	ssyncadd.s32 $0xFFFFC000;
	p0 =	sne.s32 s15, $0x9E00  }
0x1e: {  	[spmem:s2] =	stream.indirect.scatter.add.f32 [tilespmem:s12], [sflag:$0x1], $0x80, s16, s13, $0xb8;
	[tilespmem:$0x1A800] =	vst v63  }
.Ltmp0:
0x1f: {  	_ = 	snop;
	(pc) =	sbr.rel @p0 .LBB2_2-.Ltmp0, $4  }
0x20: {  	_ = 	snop  }
0x21: {  	s15 =	sadd.s32 $0x200, s15  }
0x22: {  	_ =	swait.ge [sflag:s11], $0x4000  }
0x23: {  	[sflag:s11] =	ssyncset.done $0x0  }
0x24: {  	s14 =	sadd.s32 $0x1, s14  }
0x25: {  	[sflag:s11] =	ssyncadd.s32 $0xFFFFC000;
	p0 =	sne.s32 s14, s9  }
.Ltmp1:
0x26: {  	[bflag:$0x0] =	sbarrier.arrive $0xFFFF;
	(pc) =	sbr.rel @p0 .LBB2_1-.Ltmp1, $4  }
0x27: {  	[hbm:s8], [sflag:s6] =	dma.local [spmem:s10], $0x2800  }
0x28: {  	_ =	swait.ge [sflag:s11], $0x2800  }
0x29: {  	[sflag:s11] =	ssyncset.done $0x0  }
0x2a: {  	[sflag:s11] =	ssyncadd.s32 $0xFFFFD800  }
0x2b: {  	_ =	sfence.sel $0x180000  }
0x2c: {  	[bflag:$0x0] =	sbarrier.arrive $0xFFFF  }
0x2d: {  	p0 =	sne.s32 s0, $0x0;
	_ =	strace $0x90000047  }
0x2e: {  	s0 =	sadd.s32 @!p0 $0x100000, s1;
	[bflag:$0x2] =	sbarrier.arrive $0xFFFF  }
0x2f: {  	[sflag:s0] =	ssyncadd.tile.s32 @!p0 $0x1;
	_ =	shalt  }
.Lfunc_end2:
_tile_overlayer_lowered:
.L_overlay_start_2:
0x30: {  	(tag) =	ssettag $0x2  }
0x31: {  	s0 =	rddreg [dreg:$0x0];
	s2 =	stileid.u32  }
0x32: {  	s1 =	rddreg [dreg:$0x1];
	p0 =	sne.s32 s2, $0x0  }
0x33: {  	s3 =	rddreg [dreg:$0x2];
	[bflag:$0x3] =	sbarrier.arrive $0xFFFF;
	s2 =	simm.s32 @!p0 $0x1C01  }
0x34: {  	[timem:s3], [sflag:s2] =	dma.local @!p0 [hbm:s0], s1  }
0x35: {  	s0 =	simm.s32 @!p0 $0x1  }
0x36: {  	_ =	swait.ge @!p0 [sflag:s0], s1  }
0x37: {  	s1 =	ssub.s32 @!p0 $0x0, s1;
	[sflag:s0] =	ssyncset.done @!p0 $0x0  }
0x38: {  	[sflag:s0] =	ssyncadd.s32 @!p0 s1  }
0x39: {  	[bflag:$0x3] =	sbarrier.arrive $0xFFFF  }
0x3a: {  	_ =	shalt  }

// kernel: kernel.9.cloned.1.call-start
scs
__scs_entry_jumppad:
0x0: {  	(pc) =	sbr.rel $0x88, $3  }
0x1: {  	(tag) =	ssettag $0x0;
	lr =	simm.s32 $0x1  }
0x2: {  	[smem:$0x3F97] =	sst lr;
	_ =	strace $0xD0000000  }
0x3: {  	_ = 	snop  }
0x4: {  	_ = 	snop  }
0x5: {  	_ = 	snop  }
0x6: {  	_ = 	snop  }
0x7: {  	_ = 	snop  }
__scs_overlays_trampoline_lowered:
0x8: {  	[smem:$0x3FA6] =	sst s0  }
0x9: {  	[smem:$0x3FA7] =	sst s1  }
0xa: {  	[smem:$0x3FA8] =	sst s2  }
0xb: {  	[smem:$0x3FA9] =	sst s3  }
0xc: {  	[smem:$0x3FAA] =	sst s4  }
0xd: {  	[smem:$0x3FAB] =	sst s5  }
0xe: {  	[smem:$0x3FAC] =	sst s6  }
0xf: {  	[smem:$0x3FAD] =	sst s7  }
0x10: {  	[smem:$0x3FAE] =	sst s8  }
0x11: {  	[smem:$0x3FAF] =	sst s9;
	s0 =	simm.s32 @!p0 $0x0  }
0x12: {  	s1 =	sld [smem:$0x3F95];
	s0 =	simm.s32 @p0 $0x1  }
0x13: {  	[smem:$0x3FB0] =	sst s0;
	s0 =	simm.s32 @!p1 $0x0  }
0x14: {  	s2 =	sld [smem:$0x3F94];
	s0 =	simm.s32 @p1 $0x1  }
0x15: {  	[smem:$0x3FB1] =	sst s0;
	s0 =	simm.s32 @!p2 $0x0  }
0x16: {  	s3 =	sld [smem:$0x3FDB];
	s0 =	simm.s32 @p2 $0x1  }
0x17: {  	s4 =	simm.s32 $0x1BF5;
	[smem:$0x3FB3] =	sst s0  }
0x18: {  	s0 =	sld [smem:$0x3F96];
	_ =	swait.ge [sflag:s4], $0x0  }
0x19: {  	s7 =	sld [smem:$0x3F97]  }
0x1a: {  	s8 =	sadd.s32 $0xFFFFE003, lr  }
0x1b: {  	s9 =	sadd.s32 $0xFFFFFEF7, lr;
	s5 =	simm.s32 $0xFFFFFFFF;
	p2 =	slt.u32 s8, $0xFFFFF086  }
0x1c: {  	p1 =	slt.u32 s9, $0xF7A;
	s5 =	simm.s32 @!p2 $0x0  }
0x1d: {  	s5 =	simm.s32 @p1 $0x1;
	p0 =	seq.s32 s7, s2  }
0x1e: {  	s7 =	smul.u32 @!p0 $0xF7A, s2;
	p2 =	seq.s32 @!p0 s5, $0x0  }
0x1f: {  	s9 =	smul.u32 $0xF7A, s1;
	s8 =	simm.s32 @!p0 $0x1BF5;
	p2 =	por !p2, p0  }
0x20: {  	[sflag:s8] =	ssyncset.s32 @!p0 $0xFFFFF086;
	s6 =	sadd.s32 @!p0 s3, s7;
	s7 =	simm.s32 @!p0 $0x108  }
0x21: {  	s3 =	sadd.s32 s3, s9;
	s6 =	sadd.s32 @!p0 $0x88, s6;
	s7 =	simm.s32 @p2 $0x1082  }
0x22: {  	[simem:s7], [sflag:s8] =	dma.local @!p0 [hbm:s6], $0xF7A  }
0x23: {  	s9 =	sor.u32 $0xD0000000, s2;
	s6 =	simm.s32 $0x108;
	_ =	swait.ge @!p0 [sflag:s8], $0x0  }
0x24: {  	s3 =	sadd.s32 $0x88, s3;
	s6 =	simm.s32 @!p1 $0x1082;
	[sflag:s4] =	ssyncset.s32 $0xFFFFF086  }
0x25: {  	[simem:s6], [sflag:s4] =	dma.local [hbm:s3], $0xF7A  }
0x26: {  	[smem:$0x3F97] =	sst s1;
	(tag) =	ssettag s2;
	_ =	strace s9  }
0x27: {  	s1 =	sld [smem:$0x3FA7]  }
0x28: {  	s2 =	sld [smem:$0x3FA8]  }
0x29: {  	s4 =	sld [smem:$0x3FAA]  }
0x2a: {  	p0 =	seq.s32 s5, $0x0;
	s5 =	sld [smem:$0x3FAB]  }
0x2b: {  	s6 =	sld [smem:$0x3FAC]  }
0x2c: {  	s7 =	sld [smem:$0x3FAD]  }
0x2d: {  	s3 =	simm.s32 $0x108;
	s8 =	sld [smem:$0x3FAE]  }
0x2e: {  	s3 =	simm.s32 @!p0 $0x1082;
	s9 =	sld [smem:$0x3FAF]  }
0x2f: {  	lr =	sadd.s32 s0, s3;
	s0 =	sld [smem:$0x3FA6]  }
0x30: {  	s3 =	sld [smem:$0x3FA9]  }
0x31: {  	[smem:$0x3FB2] =	sst s10  }
0x32: {  	s10 =	sld [smem:$0x3FB0];
	_ =	sdelay $0x3  }
0x33: {  	p0 =	seq.s32 s10, $0x1;
	s10 =	sld [smem:$0x3FB2];
	_ =	sdelay $0x3  }
0x34: {  	[smem:$0x3FB2] =	sst s10  }
0x35: {  	s10 =	sld [smem:$0x3FB1];
	_ =	sdelay $0x3  }
0x36: {  	p1 =	seq.s32 s10, $0x1;
	s10 =	sld [smem:$0x3FB2];
	_ =	sdelay $0x3  }
0x37: {  	[smem:$0x3FB2] =	sst s10  }
0x38: {  	s10 =	sld [smem:$0x3FB3]  }
0x39: {  	_ = 	snop;
	(pc) =	sbr.ind lr, $3  }
0x3a: {  	_ = 	snop  }
0x3b: {  	_ = 	snop  }
0x3c: {  	p2 =	seq.s32 s10, $0x1;
	s10 =	sld [smem:$0x3FB2]  }
0x3d: {  	_ =	shalt  }
0x3e: {  	_ =	shalt  }
0x3f: {  	_ =	shalt  }
0x40: {  	_ =	shalt  }
0x41: {  	_ =	shalt  }
0x42: {  	_ =	shalt  }
0x43: {  	_ =	shalt  }
0x44: {  	_ =	shalt  }
0x45: {  	_ =	shalt  }
0x46: {  	_ =	shalt  }
0x47: {  	_ =	shalt  }
0x48: {  	_ =	shalt  }
0x49: {  	_ =	shalt  }
0x4a: {  	_ =	shalt  }
0x4b: {  	_ =	shalt  }
0x4c: {  	_ =	shalt  }
0x4d: {  	_ =	shalt  }
0x4e: {  	_ =	shalt  }
0x4f: {  	_ =	shalt  }
0x50: {  	_ =	shalt  }
0x51: {  	_ =	shalt  }
0x52: {  	_ =	shalt  }
0x53: {  	_ =	shalt  }
0x54: {  	_ =	shalt  }
0x55: {  	_ =	shalt  }
0x56: {  	_ =	shalt  }
0x57: {  	_ =	shalt  }
0x58: {  	_ =	shalt  }
0x59: {  	_ =	shalt  }
0x5a: {  	_ =	shalt  }
0x5b: {  	_ =	shalt  }
0x5c: {  	_ =	shalt  }
0x5d: {  	_ =	shalt  }
0x5e: {  	_ =	shalt  }
0x5f: {  	_ =	shalt  }
0x60: {  	_ =	shalt  }
0x61: {  	_ =	shalt  }
0x62: {  	_ =	shalt  }
0x63: {  	_ =	shalt  }
0x64: {  	_ =	shalt  }
0x65: {  	_ =	shalt  }
0x66: {  	_ =	shalt  }
0x67: {  	_ =	shalt  }
0x68: {  	_ =	shalt  }
0x69: {  	_ =	shalt  }
0x6a: {  	_ =	shalt  }
0x6b: {  	_ =	shalt  }
0x6c: {  	_ =	shalt  }
0x6d: {  	_ =	shalt  }
0x6e: {  	_ =	shalt  }
0x6f: {  	_ =	shalt  }
0x70: {  	_ =	shalt  }
0x71: {  	_ =	shalt  }
0x72: {  	_ =	shalt  }
0x73: {  	_ =	shalt  }
0x74: {  	_ =	shalt  }
0x75: {  	_ =	shalt  }
0x76: {  	_ =	shalt  }
0x77: {  	_ =	shalt  }
0x78: {  	_ =	shalt  }
0x79: {  	_ =	shalt  }
0x7a: {  	_ =	shalt  }
0x7b: {  	_ =	shalt  }
0x7c: {  	_ =	shalt  }
0x7d: {  	_ =	shalt  }
0x7e: {  	_ =	shalt  }
0x7f: {  	_ =	shalt  }
0x80: {  	_ =	shalt  }
0x81: {  	_ =	shalt  }
0x82: {  	_ =	shalt  }
0x83: {  	_ =	shalt  }
0x84: {  	_ =	shalt  }
0x85: {  	_ =	shalt  }
0x86: {  	_ =	shalt  }
0x87: {  	_ =	shalt  }
.Lfunc_end0:
.L_simem_size_0:
called_computation.1_lowered:
.L_overlay_start_0:
0x88: {  	s2 =	sld [smem:$0x3FD9]  }
0x89: {  	s3 =	sld [smem:$0x3FFE];
	_ =	sdelay $0x1  }
0x8a: {  	s1 =	srdreg.scid  }
0x8b: {  	s0 =	sand.u32 $0x1, s1  }
0x8c: {  	s17 =	sshll.u32 s0, $0xA;
	s2 =	sadd.s32 s3, s2  }
0x8d: {  	s2 =	sadd.s32 s2, s17  }
0x8e: {  	[smem:$0x3FBE] =	sst s2  }
0x8f: {  	_ = 	snop  }
0x90: {  	s2 =	sld [smem:$0x3FD0];
	(tm) =	ssettm $0x1  }
0x91: {  	s18 =	sld [smem:$0x3FFB];
	_ =	sdelay $0x3  }
0x92: {  	_ =	strace s18  }
0x93: {  	s3 =	sld [smem:$0x3FFC];
	_ =	sdelay $0x3  }
0x94: {  	_ =	strace s3  }
0x95: {  	s3 =	sld [smem:$0x3FFD];
	_ =	sdelay $0x3  }
0x96: {  	_ =	strace s3  }
0x97: {  	_ =	strace $0x8FFFFFFF  }
0x98: {  	s19 =	sld [smem:$0x3FDB];
	_ =	sdelay $0x1  }
0x99: {  	s4 =	simm.s32 $_scs_section_size  }
0x9a: {  	s5 =	simm.s32 $_size__tile_overlayer_lowered;
	s6 =	simm.s32 $_tile_overlayer_lowered  }
0x9b: {  	s22 =	simm.s32 $0x1BFF;
	s21 =	sshll.u32 s6, $0x1;
	s3 =	sadd.s32 s4, s19  }
0x9c: {  	s7 =	simm.s32 $0x0;
	s20 =	sshll.u32 s5, $0x1;
	s5 =	sadd.s32 s21, s3  }
0x9d: {  	[timem:s7], [sflag:s22] =	dma.local [hbm:s5], s20  }
0x9e: {  	_ =	swait.ge [sflag:s22], s20  }
0x9f: {  	s4 =	ssub.s32 $0x0, s20;
	[sflag:s22] =	ssyncset.done $0x0  }
0xa0: {  	[sflag:s22] =	ssyncadd.s32 s4;
	_ =	sdelay $0x1  }
0xa1: {  	s23 =	simm.s32 $0x1B8B  }
0xa2: {  	_ =	swait.ge [sflag:s23], $0x1  }
0xa3: {  	[sflag:s23] =	ssyncset.done $0x0  }
0xa4: {  	s25 =	simm.s32 $0x1B8E;
	s24 =	sld [smem:$0x3FFE];
	[sflag:s23] =	ssyncadd.s32 $0xFFFFFFFF  }
0xa5: {  	s26 =	simm.s32 $execute0_lowered;
	[smem:$0x3FD2] =	sst s25  }
0xa6: {  	s5 =	sshll.u32 s26, $0x1;
	_ =	strace $0x80000049;
	[dreg:$0x1] =	wrdreg $0xFFFFFFFF  }
0xa7: {  	s28 =	simm.s32 $_size_execute0_lowered;
	s3 =	sadd.s32 s3, s5;
	[dreg:$0x0] =	wrdreg $0x0  }
0xa8: {  	s5 =	sshll.u32 s28, $0x1;
	[dreg:$0x2] =	wrdreg s3  }
0xa9: {  	[dreg:$0x3] =	wrdreg s5  }
0xaa: {  	[dreg:$0x4] =	wrdreg $0xC0  }
0xab: {  	_ =	task [dreg:s7], $0x5FFFF  }
0xac: {  	[dreg:$0x1] =	wrdreg $0xFFFFFFFF  }
0xad: {  	[dreg:$0x0] =	wrdreg $0x60  }
0xae: {  	[dreg:$0x2] =	wrdreg s24  }
0xaf: {  	[dreg:$0x3] =	wrdreg s2  }
0xb0: {  	[dreg:$0x4] =	wrdreg $0xA0000  }
0xb1: {  	[dreg:$0x5] =	wrdreg $0x9  }
0xb2: {  	_ =	task.clear_ibuf [dreg:s7], $0x6FFFF;
	_ =	strace $0x90000049  }
0xb3: {  	s29 =	simm.s32 $0x9;
	_ =	strace $0x8000004B  }
0xb4: {  	_ =	swait.ge [sflag:s29], $0x1  }
0xb5: {  	[sflag:s29] =	ssyncadd.s32 $0xFFFFFFFF  }
0xb6: {  	_ =	strace $0x9000004B  }
0xb7: {  	_ =	sfence  }
0xb8: {  	s30 =	sld [smem:$0x0];
	_ =	sdelay $0x2  }
0xb9: {  	s31 =	sshll.u32 s1, $0xD;
	s1 =	sshrl.u32 s1, $0x2  }
0xba: {  	s3 =	sand.u32 $0x4000, s31;
	s1 =	sadd.s32 s1, s30  }
0xbb: {  	s0 =	sor.u32 s3, s0;
	s1 =	sshll.u32 s1, $0x11  }
0xbc: {  	s0 =	sor.u32 s1, s0  }
0xbd: {  	s0 =	sadd.s32 $0x8F2B, s0  }
0xbe: {  	[sflag:s0] =	ssyncadd.remote.s32 $0x1  }
0xbf: {  	_ =	sfence.sel $0xFFFF  }
0xc0: {  	[dreg:$0x0] =	wrdreg $0xFFFFFFFF;
	(pc) =	sbr.abs _section_cstart, $3  }
0xc1: {  	[dreg:$0x1] =	wrdreg $0xFFFFFFFF  }
0xc2: {  	_ =	task.clear_ibuf [dreg:s7], $0x2FFFF;
	_ =	strace $0x9FFFFFFF  }
0xc3: {  	(tm) =	ssettm $0x7FFFFFFF  }
tec
execute0_lowered:
.L_overlay_start_1:
0x0: {  	(tag) =	ssettag $0x1  }
0x1: {  	s0 =	rddreg [dreg:$0x0]  }
0x2: {  	s1 =	rddreg [dreg:$0x1]  }
0x3: {  	s3 =	rddreg [dreg:$0x2];
	s4 =	simm.s32 $0x0  }
0x4: {  	s2 =	srdreg.scid;
	s11 =	stileid.u32;
	s13 =	simm.s32 $0x5  }
0x5: {  	s14 =	simm.s32 $0x1000;
	s15 =	simm.s32 $0x40;
	s16 =	simm.s32 $0x2000  }
0x6: {  	s17 =	simm.s32 $0x80;
	s18 =	simm.s32 $0x4000;
	s19 =	simm.s32 $0x100  }
0x7: {  	s28 =	simm.s32 $0x1E00;
	s29 =	simm.s32 $0x1E80;
	s30 =	simm.s32 $0x1F00  }
0x8: {  	s31 =	simm.s32 $0x1F80;
	[smem:$0x7FF] =	sst s4;
	s2 =	sand.u32 $0x1, s2  }
0x9: {  	s7 =	smul.u32 $0x2800, s11;
	s5 =	sadd.s32 $0x73200, s0;
	s6 =	sadd.s32 $0x5F200, s0  }
0xa: {  	s9 =	sadd.s32 $0xCA00, s0;
	s10 =	smul.u32 $0x50000, s11;
	s23 =	sshll.u32 s11, $0x1  }
0xb: {  	s25 =	sshll.u32 s11, $0x6;
	_ =	strace $0x8000004A;
	s8 =	smul.u32 $0x28000, s2  }
0xc: {  	[dreg:$0x4] =	wrdreg s9;
	s20 =	ssub.s32 $0x2, s2;
	s2 =	sor.u32 s2, s23  }
0xd: {  	s23 =	simm.s32 $0x2;
	s21 =	sshrl.u32 s20, $0x1;
	s24 =	sshrl.u32 s10, $0x2  }
0xe: {  	s9 =	smul.u32 $0x5000, s2;
	s7 =	sadd.s32 s7, s8;
	s22 =	ssub.s32 s20, s21  }
0xf: {  	s10 =	sadd.s32 s24, s3;
	s8 =	sor.u32 $0x1C05, s25;
	s20 =	simm.s32 $0x6000  }
0x10: {  	s21 =	simm.s32 $0x8000;
	s24 =	simm.s32 $0x3;
	s26 =	smax.u32 s22, $0x1  }
0x11: {  	s0 =	sadd.s32 s7, s0;
	s2 =	sshrl.u32 s10, $0x3;
	[dreg:$0x6] =	wrdreg s26  }
0x12: {  	s25 =	simm.s32 $0x4;
	s0 =	sadd.s32 $0x9B200, s0;
	[dreg:$0x7] =	wrdreg s2  }
0x13: {  	s22 =	simm.s32 $0x1;
	s26 =	simm.s32 $0xF80;
	[dreg:$0x5] =	wrdreg s0  }
.LBB2_1:
0x14: {  	s0 =	rddreg [dreg:$0x4]  }
0x15: {  	[spmem:s2], [sflag:s8] =	dma.local [hbm:s0], $0x2800  }
0x16: {  	_ =	swait.ge [sflag:s13], $0x2800  }
0x17: {  	[sflag:s13] =	ssyncset.done $0x0  }
0x18: {  	[sflag:s13] =	ssyncadd.s32 $0xFFFFD800  }
0x19: {  	s12 =	smov.u32 s8;
	s0 =	simm.s32 $0x0;
	[bflag:$0x0] =	sbarrier.arrive $0xFFFF  }
.LBB2_2:
0x1a: {  	s2 =	sshll.u32 s0, $0xC  }
0x1b: {  	s2 =	sadd.s32 s9, s2  }
0x1c: {  	s2 =	sshrl.u32 s2, $0x3  }
0x1d: {  	s10 =	simm.s32 $0x0;
	s7 =	sadd.s32 s1, s2  }
0x1e: {  	[tilespmem:s10], [sflag:$0x5] =	stream.linear.gather [hbm4b:s7+s10], $0x1000, $0x38;
	[tilespmem:$0x1E000] =	vst v63  }
0x1f: {  	_ =	swait.ge [sflag:s13], $0x1000  }
0x20: {  	[sflag:s13] =	ssyncset.done $0x0  }
0x21: {  	s2 =	sadd.s32 s6, s2;
	[sflag:s13] =	ssyncadd.s32 $0xFFFFF000  }
0x22: {  	[tilespmem:s14], [sflag:$0x5] =	stream.linear.gather [hbm4b:s2+s10], $0x1000, $0x38;
	[tilespmem:$0x1E000] =	vst v63  }
0x23: {  	_ =	swait.ge [sflag:s13], $0x1000  }
0x24: {  	[sflag:s13] =	ssyncset.done $0x0  }
0x25: {  	[sflag:s13] =	ssyncadd.s32 $0xFFFFF000  }
0x26: {  	[tilespmem:s16], [sflag:$0x1] =	stream.indirect.gather [hbm4b:s5+s15], $0x80, s10, s15, $0xb8;
	[tilespmem:$0x1E000] =	vst v63  }
0x27: {  	_ = 	snop  }
0x28: {  	[tilespmem:s18], [sflag:$0x2] =	stream.indirect.gather [hbm4b:s5+s15], $0x80, s17, s15, $0xb8;
	[tilespmem:$0x1E000] =	vst v63  }
0x29: {  	_ = 	snop  }
0x2a: {  	[tilespmem:s20], [sflag:$0x3] =	stream.indirect.gather [hbm4b:s5+s15], $0x80, s19, s15, $0xb8;
	[tilespmem:$0x1E000] =	vst v63  }
0x2b: {  	s7 =	simm.s32 $0x180  }
0x2c: {  	[tilespmem:s21], [sflag:$0x4] =	stream.indirect.gather [hbm4b:s5+s15], $0x80, s7, s15, $0xb8;
	[tilespmem:$0x1E000] =	vst v63  }
0x2d: {  	_ =	swait.ge [sflag:s22], $0x2000  }
0x2e: {  	[sflag:s22] =	ssyncset.done $0x0  }
0x2f: {  	s8 =	simm.s32 $0x1000;
	[sflag:s22] =	ssyncadd.s32 $0xFFFFE000  }
0x30: {  	[spmem:s3] =	stream.indirect.scatter.add.f32 [tilespmem:s16], [sflag:$0x5], $0x80, s8, s15, $0xb8;
	[tilespmem:$0x1E000] =	vst v63  }
0x31: {  	_ =	swait.ge [sflag:s13], $0x2000  }
0x32: {  	[sflag:s13] =	ssyncset.done $0x0  }
0x33: {  	s10 =	simm.s32 $0x200;
	[sflag:s13] =	ssyncadd.s32 $0xFFFFE000  }
0x34: {  	[tilespmem:s16], [sflag:$0x1] =	stream.indirect.gather [hbm4b:s5+s15], $0x80, s10, s15, $0xb8;
	[tilespmem:$0x1E000] =	vst v63  }
0x35: {  	_ =	swait.ge [sflag:s23], $0x2000  }
0x36: {  	[sflag:s23] =	ssyncset.done $0x0  }
0x37: {  	s11 =	simm.s32 $0x1080;
	[sflag:s23] =	ssyncadd.s32 $0xFFFFE000  }
0x38: {  	[spmem:s3] =	stream.indirect.scatter.add.f32 [tilespmem:s18], [sflag:$0x5], $0x80, s11, s15, $0xb8;
	[tilespmem:$0x1E000] =	vst v63  }
0x39: {  	_ =	swait.ge [sflag:s13], $0x2000  }
0x3a: {  	[sflag:s13] =	ssyncset.done $0x0  }
0x3b: {  	s7 =	simm.s32 $0x280;
	[sflag:s13] =	ssyncadd.s32 $0xFFFFE000  }
0x3c: {  	[tilespmem:s18], [sflag:$0x2] =	stream.indirect.gather [hbm4b:s5+s15], $0x80, s7, s15, $0xb8;
	[tilespmem:$0x1E000] =	vst v63  }
0x3d: {  	_ =	swait.ge [sflag:s24], $0x2000  }
0x3e: {  	[sflag:s24] =	ssyncset.done $0x0  }
0x3f: {  	s8 =	simm.s32 $0x1100;
	[sflag:s24] =	ssyncadd.s32 $0xFFFFE000  }
0x40: {  	[spmem:s3] =	stream.indirect.scatter.add.f32 [tilespmem:s20], [sflag:$0x5], $0x80, s8, s15, $0xb8;
	[tilespmem:$0x1E000] =	vst v63  }
0x41: {  	_ =	swait.ge [sflag:s13], $0x2000  }
0x42: {  	[sflag:s13] =	ssyncset.done $0x0  }
0x43: {  	s10 =	simm.s32 $0x300;
	[sflag:s13] =	ssyncadd.s32 $0xFFFFE000  }
0x44: {  	[tilespmem:s20], [sflag:$0x3] =	stream.indirect.gather [hbm4b:s5+s15], $0x80, s10, s15, $0xb8;
	[tilespmem:$0x1E000] =	vst v63  }
0x45: {  	_ =	swait.ge [sflag:s25], $0x2000  }
0x46: {  	[sflag:s25] =	ssyncset.done $0x0  }
0x47: {  	s11 =	simm.s32 $0x1180;
	[sflag:s25] =	ssyncadd.s32 $0xFFFFE000  }
0x48: {  	[spmem:s3] =	stream.indirect.scatter.add.f32 [tilespmem:s21], [sflag:$0x5], $0x80, s11, s15, $0xb8;
	[tilespmem:$0x1E000] =	vst v63  }
0x49: {  	_ =	swait.ge [sflag:s13], $0x2000  }
0x4a: {  	s2 =	simm.s32 $0x200;
	s7 =	simm.s32 $0x1000;
	[sflag:s13] =	ssyncset.done $0x0  }
.LBB2_3:
0x4b: {  	s8 =	sadd.s32 $0x180, s2  }
0x4c: {  	[sflag:s13] =	ssyncadd.s32 $0xFFFFE000;
	s10 =	smov.u32 s7;
	s11 =	sadd.s32 $0x800, s7  }
0x4d: {  	[tilespmem:s21], [sflag:$0x4] =	stream.indirect.gather [hbm4b:s5+s15], $0x80, s8, s15, $0xb8;
	[tilespmem:$0x1E000] =	vst v63  }
0x4e: {  	p0 =	sne.s32 s7, $0x3000;
	_ =	swait.ge [sflag:s22], $0x2000  }
0x4f: {  	[sflag:s22] =	ssyncset.done $0x0  }
0x50: {  	s7 =	sadd.s32 $0x1000, s2;
	[sflag:s22] =	ssyncadd.s32 $0xFFFFE000  }
0x51: {  	[spmem:s3] =	stream.indirect.scatter.add.f32 [tilespmem:s16], [sflag:$0x5], $0x80, s7, s15, $0xb8;
	[tilespmem:$0x1E000] =	vst v63  }
0x52: {  	_ =	swait.ge [sflag:s13], $0x2000  }
0x53: {  	[sflag:s13] =	ssyncset.done $0x0  }
0x54: {  	s7 =	sadd.s32 $0x200, s2;
	[sflag:s13] =	ssyncadd.s32 $0xFFFFE000  }
0x55: {  	[tilespmem:s16], [sflag:$0x1] =	stream.indirect.gather [hbm4b:s5+s15], $0x80, s7, s15, $0xb8;
	[tilespmem:$0x1E000] =	vst v63  }
0x56: {  	_ =	swait.ge [sflag:s23], $0x2000  }
0x57: {  	[sflag:s23] =	ssyncset.done $0x0  }
0x58: {  	s7 =	sadd.s32 $0x1080, s2;
	[sflag:s23] =	ssyncadd.s32 $0xFFFFE000  }
0x59: {  	[spmem:s3] =	stream.indirect.scatter.add.f32 [tilespmem:s18], [sflag:$0x5], $0x80, s7, s15, $0xb8;
	[tilespmem:$0x1E000] =	vst v63  }
0x5a: {  	_ =	swait.ge [sflag:s13], $0x2000  }
0x5b: {  	[sflag:s13] =	ssyncset.done $0x0  }
0x5c: {  	s7 =	sadd.s32 $0x280, s2;
	[sflag:s13] =	ssyncadd.s32 $0xFFFFE000  }
0x5d: {  	[tilespmem:s18], [sflag:$0x2] =	stream.indirect.gather [hbm4b:s5+s15], $0x80, s7, s15, $0xb8;
	[tilespmem:$0x1E000] =	vst v63  }
0x5e: {  	_ =	swait.ge [sflag:s24], $0x2000  }
0x5f: {  	[sflag:s24] =	ssyncset.done $0x0  }
0x60: {  	s7 =	sadd.s32 $0x1100, s2;
	[sflag:s24] =	ssyncadd.s32 $0xFFFFE000  }
0x61: {  	[spmem:s3] =	stream.indirect.scatter.add.f32 [tilespmem:s20], [sflag:$0x5], $0x80, s7, s15, $0xb8;
	[tilespmem:$0x1E000] =	vst v63  }
0x62: {  	_ =	swait.ge [sflag:s13], $0x2000  }
0x63: {  	[sflag:s13] =	ssyncset.done $0x0  }
0x64: {  	s7 =	sadd.s32 $0x300, s2;
	[sflag:s13] =	ssyncadd.s32 $0xFFFFE000  }
0x65: {  	[tilespmem:s20], [sflag:$0x3] =	stream.indirect.gather [hbm4b:s5+s15], $0x80, s7, s15, $0xb8;
	[tilespmem:$0x1E000] =	vst v63  }
0x66: {  	_ =	swait.ge [sflag:s25], $0x2000  }
.Ltmp0:
0x67: {  	[sflag:s25] =	ssyncset.done $0x0;
	(pc) =	sbr.rel @p0 .LBB2_3-.Ltmp0, $4  }
0x68: {  	s2 =	sadd.s32 $0x1180, s2;
	[sflag:s25] =	ssyncadd.s32 $0xFFFFE000  }
0x69: {  	[spmem:s3] =	stream.indirect.scatter.add.f32 [tilespmem:s21], [sflag:$0x5], $0x80, s2, s15, $0xb8;
	[tilespmem:$0x1E000] =	vst v63  }
0x6a: {  	_ =	swait.ge [sflag:s13], $0x2000  }
0x6b: {  	s7 =	smov.u32 s11;
	s2 =	sshra.s32 s10, $0x2;
	[sflag:s13] =	ssyncset.done $0x0  }
0x6c: {  	s7 =	sadd.s32 $0x180, s2;
	[sflag:s13] =	ssyncadd.s32 $0xFFFFE000  }
0x6d: {  	[tilespmem:s21], [sflag:$0x4] =	stream.indirect.gather [hbm4b:s5+s15], $0x80, s7, s15, $0xb8;
	[tilespmem:$0x1E000] =	vst v63  }
0x6e: {  	_ =	swait.ge [sflag:s22], $0x2000  }
0x6f: {  	[sflag:s22] =	ssyncset.done $0x0  }
0x70: {  	s11 =	sadd.s32 $0x1000, s2;
	[sflag:s22] =	ssyncadd.s32 $0xFFFFE000  }
0x71: {  	[spmem:s3] =	stream.indirect.scatter.add.f32 [tilespmem:s16], [sflag:$0x5], $0x80, s11, s15, $0xb8;
	[tilespmem:$0x1E000] =	vst v63  }
0x72: {  	_ =	swait.ge [sflag:s13], $0x2000  }
0x73: {  	[sflag:s13] =	ssyncset.done $0x0  }
0x74: {  	s8 =	sadd.s32 $0x200, s2;
	[sflag:s13] =	ssyncadd.s32 $0xFFFFE000  }
0x75: {  	[tilespmem:s16], [sflag:$0x1] =	stream.indirect.gather [hbm4b:s5+s15], $0x80, s8, s15, $0xb8;
	[tilespmem:$0x1E000] =	vst v63  }
0x76: {  	_ =	swait.ge [sflag:s23], $0x2000  }
0x77: {  	[sflag:s23] =	ssyncset.done $0x0  }
0x78: {  	s10 =	sadd.s32 $0x1080, s2;
	[sflag:s23] =	ssyncadd.s32 $0xFFFFE000  }
0x79: {  	[spmem:s3] =	stream.indirect.scatter.add.f32 [tilespmem:s18], [sflag:$0x5], $0x80, s10, s15, $0xb8;
	[tilespmem:$0x1E000] =	vst v63  }
0x7a: {  	_ =	swait.ge [sflag:s13], $0x2000  }
0x7b: {  	[sflag:s13] =	ssyncset.done $0x0  }
0x7c: {  	s11 =	sadd.s32 $0x280, s2;
	[sflag:s13] =	ssyncadd.s32 $0xFFFFE000  }
0x7d: {  	[tilespmem:s18], [sflag:$0x2] =	stream.indirect.gather [hbm4b:s5+s15], $0x80, s11, s15, $0xb8;
	[tilespmem:$0x1E000] =	vst v63  }
0x7e: {  	_ =	swait.ge [sflag:s24], $0x2000  }
0x7f: {  	[sflag:s24] =	ssyncset.done $0x0  }
0x80: {  	s8 =	sadd.s32 $0x1100, s2;
	[sflag:s24] =	ssyncadd.s32 $0xFFFFE000  }
0x81: {  	[spmem:s3] =	stream.indirect.scatter.add.f32 [tilespmem:s20], [sflag:$0x5], $0x80, s8, s15, $0xb8;
	[tilespmem:$0x1E000] =	vst v63  }
0x82: {  	_ =	swait.ge [sflag:s13], $0x2000  }
0x83: {  	[sflag:s13] =	ssyncset.done $0x0  }
0x84: {  	s10 =	sadd.s32 $0x300, s2;
	[sflag:s13] =	ssyncadd.s32 $0xFFFFE000  }
0x85: {  	[tilespmem:s20], [sflag:$0x3] =	stream.indirect.gather [hbm4b:s5+s15], $0x80, s10, s15, $0xb8;
	[tilespmem:$0x1E000] =	vst v63  }
0x86: {  	_ =	swait.ge [sflag:s25], $0x2000  }
0x87: {  	[sflag:s25] =	ssyncset.done $0x0  }
0x88: {  	s11 =	sadd.s32 $0x1180, s2;
	[sflag:s25] =	ssyncadd.s32 $0xFFFFE000  }
0x89: {  	[spmem:s3] =	stream.indirect.scatter.add.f32 [tilespmem:s21], [sflag:$0x5], $0x80, s11, s15, $0xb8;
	[tilespmem:$0x1E000] =	vst v63  }
0x8a: {  	_ =	swait.ge [sflag:s13], $0x2000  }
0x8b: {  	[sflag:s13] =	ssyncset.done $0x0  }
0x8c: {  	[sflag:s13] =	ssyncadd.s32 $0xFFFFE000  }
0x8d: {  	[tilespmem:s21], [sflag:$0x4] =	stream.indirect.gather [hbm4b:s5+s15], $0x80, s26, s15, $0xb8;
	[tilespmem:$0x1E000] =	vst v63  }
0x8e: {  	_ =	swait.ge [sflag:s22], $0x2000  }
0x8f: {  	[sflag:s22] =	ssyncset.done $0x0  }
0x90: {  	[sflag:s22] =	ssyncadd.s32 $0xFFFFE000  }
0x91: {  	[spmem:s3] =	stream.indirect.scatter.add.f32 [tilespmem:s16], [sflag:$0x5], $0x80, s28, s15, $0xb8;
	[tilespmem:$0x1E000] =	vst v63  }
0x92: {  	_ =	swait.ge [sflag:s13], $0x2000  }
0x93: {  	[sflag:s13] =	ssyncset.done $0x0  }
0x94: {  	[sflag:s13] =	ssyncadd.s32 $0xFFFFE000  }
0x95: {  	_ =	swait.ge [sflag:s23], $0x2000  }
0x96: {  	[sflag:s23] =	ssyncset.done $0x0  }
0x97: {  	[sflag:s23] =	ssyncadd.s32 $0xFFFFE000  }
0x98: {  	[spmem:s3] =	stream.indirect.scatter.add.f32 [tilespmem:s18], [sflag:$0x5], $0x80, s29, s15, $0xb8;
	[tilespmem:$0x1E000] =	vst v63  }
0x99: {  	_ =	swait.ge [sflag:s13], $0x2000  }
0x9a: {  	[sflag:s13] =	ssyncset.done $0x0  }
0x9b: {  	[sflag:s13] =	ssyncadd.s32 $0xFFFFE000  }
0x9c: {  	_ =	swait.ge [sflag:s24], $0x2000  }
0x9d: {  	[sflag:s24] =	ssyncset.done $0x0  }
0x9e: {  	[sflag:s24] =	ssyncadd.s32 $0xFFFFE000  }
0x9f: {  	[spmem:s3] =	stream.indirect.scatter.add.f32 [tilespmem:s20], [sflag:$0x5], $0x80, s30, s15, $0xb8;
	[tilespmem:$0x1E000] =	vst v63  }
0xa0: {  	_ =	swait.ge [sflag:s13], $0x2000  }
0xa1: {  	[sflag:s13] =	ssyncset.done $0x0  }
0xa2: {  	[sflag:s13] =	ssyncadd.s32 $0xFFFFE000  }
0xa3: {  	s0 =	sadd.s32 $0x1, s0;
	_ =	swait.ge [sflag:s25], $0x2000  }
0xa4: {  	p0 =	sne.s32 s0, $0x5;
	[sflag:s25] =	ssyncset.done $0x0  }
.Ltmp1:
0xa5: {  	[sflag:s25] =	ssyncadd.s32 $0xFFFFE000;
	(pc) =	sbr.rel @p0 .LBB2_2-.Ltmp1, $4  }
0xa6: {  	[spmem:s3] =	stream.indirect.scatter.add.f32 [tilespmem:s21], [sflag:$0x5], $0x80, s31, s15, $0xb8;
	[tilespmem:$0x1E000] =	vst v63  }
0xa7: {  	_ =	swait.ge [sflag:s13], $0x2000  }
0xa8: {  	[sflag:s13] =	ssyncset.done $0x0  }
0xa9: {  	[sflag:s13] =	ssyncadd.s32 $0xFFFFE000  }
0xaa: {  	[bflag:$0x0] =	sbarrier.arrive $0xFFFF  }
0xab: {  	s0 =	rddreg [dreg:$0x5]  }
0xac: {  	s2 =	rddreg [dreg:$0x7]  }
0xad: {  	[hbm:s0], [sflag:s12] =	dma.local [spmem:s2], $0x2800  }
0xae: {  	_ =	swait.ge [sflag:s13], $0x2800  }
0xaf: {  	s8 =	smov.u32 s12;
	s4 =	sadd.s32 $0x1, s4;
	s12 =	rddreg [dreg:$0x6]  }
0xb0: {  	p0 =	sne.s32 s4, s12  }
.Ltmp2:
0xb1: {  	_ = 	snop;
	(pc) =	sbr.rel @p0 .LBB2_1-.Ltmp2, $3  }
0xb2: {  	_ =	sdelay $0x1  }
0xb3: {  	[sflag:s13] =	ssyncset.done $0x0  }
0xb4: {  	[sflag:s13] =	ssyncadd.s32 $0xFFFFD800  }
0xb5: {  	_ =	sfence.sel $0x180000  }
0xb6: {  	[bflag:$0x0] =	sbarrier.arrive $0xFFFF  }
0xb7: {  	_ =	strace $0x9000004A  }
0xb8: {  	s0 =	stileid.u32;
	[bflag:$0x2] =	sbarrier.arrive $0xFFFF  }
0xb9: {  	p0 =	sne.s32 s0, $0x0;
	s0 =	rddreg [dreg:$0x3]  }
0xba: {  	s0 =	sadd.s32 @!p0 $0x100000, s0  }
0xbb: {  	[sflag:s0] =	ssyncadd.tile.s32 @!p0 $0x1;
	_ =	shalt  }
.Lfunc_end2:
_tile_overlayer_lowered:
.L_overlay_start_2:
0xbc: {  	(tag) =	ssettag $0x2  }
0xbd: {  	s0 =	rddreg [dreg:$0x0];
	s2 =	stileid.u32  }
0xbe: {  	s1 =	rddreg [dreg:$0x1];
	p0 =	sne.s32 s2, $0x0  }
0xbf: {  	s3 =	rddreg [dreg:$0x2];
	[bflag:$0x3] =	sbarrier.arrive $0xFFFF;
	s2 =	simm.s32 @!p0 $0x1C05  }
0xc0: {  	[timem:s3], [sflag:s2] =	dma.local @!p0 [hbm:s0], s1  }
0xc1: {  	s0 =	simm.s32 @!p0 $0x5  }
0xc2: {  	_ =	swait.ge @!p0 [sflag:s0], s1  }
0xc3: {  	s1 =	ssub.s32 @!p0 $0x0, s1;
	[sflag:s0] =	ssyncset.done @!p0 $0x0  }
0xc4: {  	[sflag:s0] =	ssyncadd.s32 @!p0 s1  }
0xc5: {  	[bflag:$0x3] =	sbarrier.arrive $0xFFFF  }
0xc6: {  	_ =	shalt  }

</sc_bundles>
